<compile_context>
chip_gen: v7x
topology: tpu7x:2x2x1
jax: 0.10.2.dev20260603
libtpu: 0.0.44.dev20260713+nightly
codegen_flags: <defaults>
</compile_context>

<pallas_src>
import jax
import jax.numpy as jnp
from jax import lax
from jax.experimental import pallas as pl
from jax.experimental.pallas import tpu as pltpu
from jax.experimental.pallas import tpu_sc as plsc

N_NODES = 10000
N_EDGES = 320000
D = 128

NC = 2
NS = 16
NW = NC * NS

NPAD = 10240
DUMP = 10200
CHUNK = 128
GB = 8
NCHUNK = ((N_EDGES // NW + CHUNK * GB - 1) // (CHUNK * GB)) * GB
NGRP = NCHUNK // GB
EPT = NCHUNK * CHUNK
EPAD = EPT * NW

ROWS_PER_TILE = NPAD // NS


def _make_sc_agg(with_count: bool):
    mesh = plsc.VectorSubcoreMesh(
        core_axis_name="c", subcore_axis_name="s", num_cores=NC, num_subcores=NS
    )
    out_type = [jax.ShapeDtypeStruct((NC, NPAD, D), jnp.float32)]
    if with_count:
        out_type.append(jax.ShapeDtypeStruct((NW, NPAD), jnp.float32))
    scratch = [
        pltpu.VMEM_SHARED((NPAD, D), jnp.float32),
        pltpu.VMEM((GB, CHUNK), jnp.int32),
        pltpu.VMEM((GB, CHUNK), jnp.int32),
        pltpu.VMEM((CHUNK, D), jnp.float32),
        pltpu.VMEM((16, D), jnp.float32),
        pltpu.SemaphoreType.DMA,
    ]
    if with_count:
        scratch.append(pltpu.VMEM((NPAD,), jnp.float32))

    def body(y_hbm, src_hbm, dst_hbm, agg_hbm, *rest):
        if with_count:
            cnt_hbm, acc, src_v, dst_v, rows_v, zbuf, sem, cnt_v = rest
        else:
            acc, src_v, dst_v, rows_v, zbuf, sem = rest
            cnt_hbm = cnt_v = None
        c = lax.axis_index("c")
        s = lax.axis_index("s")
        wid = s * NC + c
        base = s * ROWS_PER_TILE

        zeros16 = jnp.zeros((16,), jnp.float32)

        @pl.loop(0, 16)
        def _zero_zbuf(r):
            for k in range(D // 16):
                zbuf[r, pl.ds(k * 16, 16)] = zeros16

        @pl.loop(0, ROWS_PER_TILE // 16)
        def _zero_acc(i):
            pltpu.sync_copy(zbuf, acc.at[pl.ds(base + i * 16, 16)])

        if with_count:
            @pl.loop(0, NPAD // 16)
            def _zero_cnt(i):
                cnt_v[pl.ds(i * 16, 16)] = zeros16

        plsc.subcore_barrier()

        ones16 = jnp.ones((16,), jnp.float32)

        @pl.loop(0, NGRP)
        def _grp(g):
            pltpu.sync_copy(src_hbm.at[wid].at[pl.ds(g * GB, GB)], src_v)
            pltpu.sync_copy(dst_hbm.at[wid].at[pl.ds(g * GB, GB)], dst_v)

            @pl.loop(0, GB)
            def _edges(j):
                pltpu.async_copy(y_hbm.at[src_v.at[j]], rows_v, sem).wait()
                pltpu.sync_copy(rows_v, acc.at[dst_v.at[j]], add=True)
                if with_count:
                    for k in range(CHUNK // 16):
                        idx = dst_v[j, pl.ds(k * 16, 16)]
                        plsc.addupdate_scatter(cnt_v, [idx], ones16)

        plsc.subcore_barrier()

        @pl.loop(0, ROWS_PER_TILE // CHUNK)
        def _writeout(i):
            sl = pl.ds(base + i * CHUNK, CHUNK)
            pltpu.sync_copy(acc.at[sl], rows_v)
            pltpu.sync_copy(rows_v, agg_hbm.at[c].at[sl])

        if with_count:
            pltpu.sync_copy(cnt_v, cnt_hbm.at[wid])

    return pl.kernel(
        body,
        out_type=tuple(out_type) if with_count else out_type[0],
        mesh=mesh,
        scratch_types=scratch,
        compiler_params=pltpu.CompilerParams(needs_layout_passes=False),
    )


_sc_agg_count = _make_sc_agg(True)
_sc_agg = _make_sc_agg(False)


ROWB = 1280
GRID = NPAD // ROWB


def _tc1_body(x_ref, wl_ref, wr_ref, y_ref, r_ref):
    xb = x_ref[...]
    y_ref[...] = jnp.dot(xb, wl_ref[...], preferred_element_type=jnp.float32)
    r_ref[...] = jnp.dot(xb, wr_ref[...], preferred_element_type=jnp.float32)


_tc1 = pl.pallas_call(
    _tc1_body,
    grid=(GRID,),
    in_specs=[
        pl.BlockSpec((ROWB, D), lambda i: (i, 0)),
        pl.BlockSpec((D, D), lambda i: (0, 0)),
        pl.BlockSpec((D, D), lambda i: (0, 0)),
    ],
    out_specs=[
        pl.BlockSpec((ROWB, D), lambda i: (i, 0)),
        pl.BlockSpec((ROWB, D), lambda i: (i, 0)),
    ],
    out_shape=[
        jax.ShapeDtypeStruct((NPAD, D), jnp.float32),
        jax.ShapeDtypeStruct((NPAD, D), jnp.float32),
    ],
)


def _tc2_body(agg_ref, cnt_ref, r1_ref, b_ref, wl_ref, wr_ref, y2_ref, r2_ref, inv_ref):
    agg = agg_ref[0] + agg_ref[1]
    cnt = jnp.sum(cnt_ref[...], axis=0)[:, None]
    inv = 1.0 / jnp.maximum(cnt, 1.0)
    h = jnp.maximum(agg * inv + r1_ref[...] + b_ref[...], 0.0)
    y2_ref[...] = jnp.dot(h, wl_ref[...], preferred_element_type=jnp.float32)
    r2_ref[...] = jnp.dot(h, wr_ref[...], preferred_element_type=jnp.float32)
    inv_ref[...] = inv


_tc2 = pl.pallas_call(
    _tc2_body,
    grid=(GRID,),
    in_specs=[
        pl.BlockSpec((NC, ROWB, D), lambda i: (0, i, 0)),
        pl.BlockSpec((NW, ROWB), lambda i: (0, i)),
        pl.BlockSpec((ROWB, D), lambda i: (i, 0)),
        pl.BlockSpec((1, D), lambda i: (0, 0)),
        pl.BlockSpec((D, D), lambda i: (0, 0)),
        pl.BlockSpec((D, D), lambda i: (0, 0)),
    ],
    out_specs=[
        pl.BlockSpec((ROWB, D), lambda i: (i, 0)),
        pl.BlockSpec((ROWB, D), lambda i: (i, 0)),
        pl.BlockSpec((ROWB, 1), lambda i: (i, 0)),
    ],
    out_shape=[
        jax.ShapeDtypeStruct((NPAD, D), jnp.float32),
        jax.ShapeDtypeStruct((NPAD, D), jnp.float32),
        jax.ShapeDtypeStruct((NPAD, 1), jnp.float32),
    ],
)


def _tc3_body(agg_ref, inv_ref, r2_ref, b_ref, wo_ref, bo_ref, out_ref):
    agg = agg_ref[0] + agg_ref[1]
    h2 = jnp.maximum(agg * inv_ref[...] + r2_ref[...] + b_ref[...], 0.0)
    out_ref[...] = (
        jnp.dot(h2, wo_ref[...], preferred_element_type=jnp.float32) + bo_ref[...]
    )


_tc3 = pl.pallas_call(
    _tc3_body,
    grid=(GRID,),
    in_specs=[
        pl.BlockSpec((NC, ROWB, D), lambda i: (0, i, 0)),
        pl.BlockSpec((ROWB, 1), lambda i: (i, 0)),
        pl.BlockSpec((ROWB, D), lambda i: (i, 0)),
        pl.BlockSpec((1, D), lambda i: (0, 0)),
        pl.BlockSpec((D, 1), lambda i: (0, 0)),
        pl.BlockSpec((1, 1), lambda i: (0, 0)),
    ],
    out_specs=pl.BlockSpec((ROWB, 1), lambda i: (i, 0)),
    out_shape=jax.ShapeDtypeStruct((NPAD, 1), jnp.float32),
)


def kernel(x, edge_index, W1l, W1r, b1, W2l, W2r, b2, Wout, bout):
    src = edge_index[0].astype(jnp.int32)
    dst = edge_index[1].astype(jnp.int32)
    src3 = (
        jnp.zeros((EPAD,), jnp.int32).at[:N_EDGES].set(src).reshape(NW, NCHUNK, CHUNK)
    )
    dst3 = (
        jnp.full((EPAD,), DUMP, jnp.int32).at[:N_EDGES].set(dst).reshape(NW, NCHUNK, CHUNK)
    )
    x_pad = jnp.pad(x, ((0, NPAD - N_NODES), (0, 0)))
    b1r = b1.reshape(1, D)
    b2r = b2.reshape(1, D)
    boutr = bout.reshape(1, 1)

    y1, r1 = _tc1(x_pad, W1l, W1r)
    agg1, cnt = _sc_agg_count(y1, src3, dst3)
    y2, r2, inv = _tc2(agg1, cnt, r1, b1r, W2l, W2r)
    agg2 = _sc_agg(y2, src3, dst3)
    out = _tc3(agg2, inv, r2, b2r, Wout, boutr)
    return out[:N_NODES]

# --- scband reference (transcript-rebuilt; emitter-appended) ---
"""Pipeline reference for scband-sageids-56642028699844 (READ-ONLY COPY).

The authoritative reference and input builder live on the scoring server;
editing this copy changes nothing except your own understanding.
"""

import jax, jax.numpy as jnp
import numpy as np

N_NODES = 10000
N_EDGES = 320000
D_IN = 128
D_HID = 128
D_OUT = 128

def setup_inputs(seed: int = 0) -> dict:
    key = jax.random.key(seed)
    ks = jax.random.split(key, 12)
    x = jax.random.normal(ks[0], (N_NODES, D_IN), dtype=jnp.float32)
    edge_index = jax.random.randint(ks[1], (2, N_EDGES), 0, N_NODES)
    W1l = jax.random.normal(ks[2], (D_IN, D_HID), dtype=jnp.float32) * 0.05
    W1r = jax.random.normal(ks[3], (D_IN, D_HID), dtype=jnp.float32) * 0.05
    b1 = jnp.zeros((D_HID,), dtype=jnp.float32)
    W2l = jax.random.normal(ks[4], (D_HID, D_OUT), dtype=jnp.float32) * 0.05
    W2r = jax.random.normal(ks[5], (D_HID, D_OUT), dtype=jnp.float32) * 0.05
    b2 = jnp.zeros((D_OUT,), dtype=jnp.float32)
    Wout = jax.random.normal(ks[6], (D_OUT, 1), dtype=jnp.float32) * 0.05
    bout = jnp.zeros((1,), dtype=jnp.float32)
    return {"x": x, "edge_index": edge_index, "W1l": W1l, "W1r": W1r, "b1": b1, "W2l": W2l, "W2r": W2r, "b2": b2, "Wout": Wout, "bout": bout}

def _sage_conv(x, src, dst, Wl, Wr, b, n_nodes):
    # PyG SAGEConv (mean aggr): out = lin_l(mean_{j in N(i)} x_j) + lin_r(x_i)
    msgs = x[src]
    agg = jax.ops.segment_sum(msgs, dst, num_segments=n_nodes)
    cnt = jax.ops.segment_sum(jnp.ones((src.shape[0],), dtype=x.dtype), dst, num_segments=n_nodes)
    mean = agg / jnp.maximum(cnt, 1.0)[:, None]
    return mean @ Wl + x @ Wr + b

def reference(x, edge_index, W1l, W1r, b1, W2l, W2r, b2, Wout, bout):
    src = edge_index[0]
    dst = edge_index[1]
    n = x.shape[0]
    h = _sage_conv(x, src, dst, W1l, W1r, b1, n)
    h = jax.nn.relu(h)
    h = _sage_conv(h, src, dst, W2l, W2r, b2, n)
    h = jax.nn.relu(h)
    out = h @ Wout + bout
    return out

if __name__ == "__main__":
    import jax
    _d = setup_inputs()
    print(jax.jit(kernel)(*tuple(_d.values())))

</pallas_src>

<mosaic_0001>
#map = affine_map<(d0, d1) -> (0, 0)>
#map1 = affine_map<(d0, d1) -> (0, 0, 0)>
module attributes {stable_mosaic.version = 14 : i64} {
  func.func @body(%arg0: i32, %arg1: i32, %arg2: memref<10240x128xf32, #tpu.memory_space<hbm>>, %arg3: memref<32x80x128xi32, #tpu.memory_space<hbm>>, %arg4: memref<32x80x128xi32, #tpu.memory_space<hbm>>, %arg5: memref<2x10240x128xf32, #tpu.memory_space<hbm>>, %arg6: memref<32x10240xf32, #tpu.memory_space<hbm>>, %arg7: memref<10240x128xf32, #tpu.memory_space<vmem_shared>>, %arg8: memref<8x128xi32, #tpu.memory_space<vmem>>, %arg9: memref<8x128xi32, #tpu.memory_space<vmem>>, %arg10: memref<128x128xf32, #tpu.memory_space<vmem>>, %arg11: memref<16x128xf32, #tpu.memory_space<vmem>>, %arg12: memref<!tpu.dma_semaphore, #tpu.memory_space<semaphore_mem>>, %arg13: memref<10240xf32, #tpu.memory_space<vmem>>) attributes {dimension_semantics = [#tpu.dimension_semantics<core_parallel>, #tpu.dimension_semantics<subcore_parallel>], iteration_bounds = array<i64: 2, 16>, scalar_prefetch = 0 : i64, scratch_operands = 7 : i64, tpu.core_type = #tpu.core_type<sc_vector_subcore>, window_params = [{transform_indices = #map}, {transform_indices = #map1}, {transform_indices = #map1}, {transform_indices = #map1}, {transform_indices = #map}]} {
    %mul3A = arith.constant 2 : i32
    %mul3A_0 = arith.muli %arg1, %mul3A : i32
    %add3A = arith.addi %mul3A_0, %arg0 : i32
    %mul3A_1 = arith.constant 640 : i32
    %mul3A_2 = arith.muli %arg1, %mul3A_1 : i32
    %broadcast_in_dim3A = arith.constant 0.000000e+00 : f32
    %broadcast_in_dim3A_3 = vector.broadcast %broadcast_in_dim3A : f32 to vector<16xf32>
    %scan3A = arith.constant 0 : i32
    %scan3A_4 = arith.constant 16 : i32
    %scan3A_5 = arith.addi %scan3A, %scan3A_4 : i32
    %scan3A_6 = arith.constant 1 : i32
    scf.for %scan3A_31 = %scan3A to %scan3A_5 step %scan3A_6  : i32 {
      %mul3A_32 = arith.constant 1 : i32
      %mul3A_33 = arith.muli %scan3A_31, %mul3A_32 : i32
      %add3A_34 = arith.constant 0 : i32
      %add3A_35 = arith.addi %add3A_34, %mul3A_33 : i32
      %swap3A = arith.index_cast %add3A_35 : i32 to index
      %swap3A_36 = arith.constant 0 : index
      %swap3A_37 = tpu.vector_load %arg11[%swap3A, %swap3A_36] {strides = array<i32>} : memref<16x128xf32, #tpu.memory_space<vmem>>, vector<16xf32>,
      tpu.vector_store %arg11[%swap3A, %swap3A_36], %broadcast_in_dim3A_3 {strides = array<i32>} : memref<16x128xf32, #tpu.memory_space<vmem>>, vector<16xf32>,
      %swap3A_38 = arith.index_cast %add3A_35 : i32 to index
      %swap3A_39 = arith.constant 16 : index
      %swap3A_40 = tpu.vector_load %arg11[%swap3A_38, %swap3A_39] {strides = array<i32>} : memref<16x128xf32, #tpu.memory_space<vmem>>, vector<16xf32>,
      tpu.vector_store %arg11[%swap3A_38, %swap3A_39], %broadcast_in_dim3A_3 {strides = array<i32>} : memref<16x128xf32, #tpu.memory_space<vmem>>, vector<16xf32>,
      %swap3A_41 = arith.index_cast %add3A_35 : i32 to index
      %swap3A_42 = arith.constant 32 : index
      %swap3A_43 = tpu.vector_load %arg11[%swap3A_41, %swap3A_42] {strides = array<i32>} : memref<16x128xf32, #tpu.memory_space<vmem>>, vector<16xf32>,
      tpu.vector_store %arg11[%swap3A_41, %swap3A_42], %broadcast_in_dim3A_3 {strides = array<i32>} : memref<16x128xf32, #tpu.memory_space<vmem>>, vector<16xf32>,
      %swap3A_44 = arith.index_cast %add3A_35 : i32 to index
      %swap3A_45 = arith.constant 48 : index
      %swap3A_46 = tpu.vector_load %arg11[%swap3A_44, %swap3A_45] {strides = array<i32>} : memref<16x128xf32, #tpu.memory_space<vmem>>, vector<16xf32>,
      tpu.vector_store %arg11[%swap3A_44, %swap3A_45], %broadcast_in_dim3A_3 {strides = array<i32>} : memref<16x128xf32, #tpu.memory_space<vmem>>, vector<16xf32>,
      %swap3A_47 = arith.index_cast %add3A_35 : i32 to index
      %swap3A_48 = arith.constant 64 : index
      %swap3A_49 = tpu.vector_load %arg11[%swap3A_47, %swap3A_48] {strides = array<i32>} : memref<16x128xf32, #tpu.memory_space<vmem>>, vector<16xf32>,
      tpu.vector_store %arg11[%swap3A_47, %swap3A_48], %broadcast_in_dim3A_3 {strides = array<i32>} : memref<16x128xf32, #tpu.memory_space<vmem>>, vector<16xf32>,
      %swap3A_50 = arith.index_cast %add3A_35 : i32 to index
      %swap3A_51 = arith.constant 80 : index
      %swap3A_52 = tpu.vector_load %arg11[%swap3A_50, %swap3A_51] {strides = array<i32>} : memref<16x128xf32, #tpu.memory_space<vmem>>, vector<16xf32>,
      tpu.vector_store %arg11[%swap3A_50, %swap3A_51], %broadcast_in_dim3A_3 {strides = array<i32>} : memref<16x128xf32, #tpu.memory_space<vmem>>, vector<16xf32>,
      %swap3A_53 = arith.index_cast %add3A_35 : i32 to index
      %swap3A_54 = arith.constant 96 : index
      %swap3A_55 = tpu.vector_load %arg11[%swap3A_53, %swap3A_54] {strides = array<i32>} : memref<16x128xf32, #tpu.memory_space<vmem>>, vector<16xf32>,
      tpu.vector_store %arg11[%swap3A_53, %swap3A_54], %broadcast_in_dim3A_3 {strides = array<i32>} : memref<16x128xf32, #tpu.memory_space<vmem>>, vector<16xf32>,
      %swap3A_56 = arith.index_cast %add3A_35 : i32 to index
      %swap3A_57 = arith.constant 112 : index
      %swap3A_58 = tpu.vector_load %arg11[%swap3A_56, %swap3A_57] {strides = array<i32>} : memref<16x128xf32, #tpu.memory_space<vmem>>, vector<16xf32>,
      tpu.vector_store %arg11[%swap3A_56, %swap3A_57], %broadcast_in_dim3A_3 {strides = array<i32>} : memref<16x128xf32, #tpu.memory_space<vmem>>, vector<16xf32>,
    }
    %scan3A_7 = arith.constant 16 : i32
    %scan3A_8 = arith.constant 0 : i32
    %scan3A_9 = arith.constant 40 : i32
    %scan3A_10 = arith.addi %scan3A_8, %scan3A_9 : i32
    %scan3A_11 = arith.constant 1 : i32
    scf.for %scan3A_31 = %scan3A_8 to %scan3A_10 step %scan3A_11  : i32 {
      %mul3A_32 = arith.constant 1 : i32
      %mul3A_33 = arith.muli %scan3A_31, %mul3A_32 : i32
      %add3A_34 = arith.constant 0 : i32
      %add3A_35 = arith.addi %add3A_34, %mul3A_33 : i32
      %mul3A_36 = arith.constant 16 : i32
      %mul3A_37 = arith.muli %add3A_35, %mul3A_36 : i32
      %add3A_38 = arith.addi %mul3A_2, %mul3A_37 : i32
      "tpu.region"() ({
        %run_scoped3A = tpu.sem_alloc : memref<!tpu.dma_semaphore, #tpu.memory_space<semaphore_mem>>
        %dma_start3A = arith.constant 0 : i32
        %dma_start3A_39 = tpu.memref_slice %arg7[%add3A_38, %dma_start3A] : memref<10240x128xf32, #tpu.memory_space<vmem_shared>> -> memref<16x128xf32, #tpu.memory_space<vmem_shared>>
        %dma_start3A_40 = arith.constant 0 : i32
        %dma_start3A_41 = tpu.memref_slice %arg7[%add3A_38, %dma_start3A_40] : memref<10240x128xf32, #tpu.memory_space<vmem_shared>> -> memref<16x128xf32, #tpu.memory_space<vmem_shared>>
        tpu.enqueue_dma source(%arg11 : memref<16x128xf32, #tpu.memory_space<vmem>>) target(%dma_start3A_41 : memref<16x128xf32, #tpu.memory_space<vmem_shared>>) target_semaphore(%run_scoped3A : memref<!tpu.dma_semaphore, #tpu.memory_space<semaphore_mem>>)
        %dma_wait3A = arith.constant 0 : i32
        %dma_wait3A_42 = tpu.memref_slice %arg7[%add3A_38, %dma_wait3A] : memref<10240x128xf32, #tpu.memory_space<vmem_shared>> -> memref<16x128xf32, #tpu.memory_space<vmem_shared>>
        %dma_wait3A_43 = arith.constant 0 : i32
        %dma_wait3A_44 = tpu.memref_slice %arg7[%add3A_38, %dma_wait3A_43] : memref<10240x128xf32, #tpu.memory_space<vmem_shared>> -> memref<16x128xf32, #tpu.memory_space<vmem_shared>>
        tpu.wait_dma2 semaphore(%run_scoped3A : memref<!tpu.dma_semaphore, #tpu.memory_space<semaphore_mem>>) src(%arg11 : memref<16x128xf32, #tpu.memory_space<vmem>>) dst(%dma_wait3A_44 : memref<16x128xf32, #tpu.memory_space<vmem_shared>>)
        tpu.yield
      }) : () -> ()
    }
    %scan3A_12 = arith.constant 40 : i32
    %scan3A_13 = arith.constant 0 : i32
    %scan3A_14 = arith.constant 640 : i32
    %scan3A_15 = arith.addi %scan3A_13, %scan3A_14 : i32
    %scan3A_16 = arith.constant 1 : i32
    scf.for %scan3A_31 = %scan3A_13 to %scan3A_15 step %scan3A_16  : i32 {
      %mul3A_32 = arith.constant 1 : i32
      %mul3A_33 = arith.muli %scan3A_31, %mul3A_32 : i32
      %add3A_34 = arith.constant 0 : i32
      %add3A_35 = arith.addi %add3A_34, %mul3A_33 : i32
      %mul3A_36 = arith.constant 16 : i32
      %mul3A_37 = arith.muli %add3A_35, %mul3A_36 : i32
      %swap3A = arith.index_cast %mul3A_37 : i32 to index
      %swap3A_38 = tpu.vector_load %arg13[%swap3A] {strides = array<i32>} : memref<10240xf32, #tpu.memory_space<vmem>>, vector<16xf32>,
      tpu.vector_store %arg13[%swap3A], %broadcast_in_dim3A_3 {strides = array<i32>} : memref<10240xf32, #tpu.memory_space<vmem>>, vector<16xf32>,
    }
    %scan3A_17 = arith.constant 640 : i32
    %barrier3A = arith.constant 0 : index
    tpu.barrier barrier_id(%barrier3A)
    %broadcast_in_dim3A_18 = arith.constant 1.000000e+00 : f32
    %broadcast_in_dim3A_19 = vector.broadcast %broadcast_in_dim3A_18 : f32 to vector<16xf32>
    %scan3A_20 = arith.constant 0 : i32
    %scan3A_21 = arith.constant 10 : i32
    %scan3A_22 = arith.addi %scan3A_20, %scan3A_21 : i32
    %scan3A_23 = arith.constant 1 : i32
    scf.for %scan3A_31 = %scan3A_20 to %scan3A_22 step %scan3A_23  : i32 {
      %mul3A_32 = arith.constant 1 : i32
      %mul3A_33 = arith.muli %scan3A_31, %mul3A_32 : i32
      %add3A_34 = arith.constant 0 : i32
      %add3A_35 = arith.addi %add3A_34, %mul3A_33 : i32
      %mul3A_36 = arith.constant 8 : i32
      %mul3A_37 = arith.muli %add3A_35, %mul3A_36 : i32
      "tpu.region"() ({
        %run_scoped3A = tpu.sem_alloc : memref<!tpu.dma_semaphore, #tpu.memory_space<semaphore_mem>>
        %dma_start3A = arith.constant 0 : i32
        %dma_start3A_45 = arith.constant 0 : i32
        %dma_start3A_46 = tpu.memref_slice %arg3[%add3A, %dma_start3A, %dma_start3A_45] : memref<32x80x128xi32, #tpu.memory_space<hbm>> -> memref<1x80x128xi32, #tpu.memory_space<hbm>>
        %dma_start3A_47 = tpu.memref_squeeze %dma_start3A_46 : memref<1x80x128xi32, #tpu.memory_space<hbm>> -> memref<80x128xi32, #tpu.memory_space<hbm>>
        %dma_start3A_48 = arith.constant 0 : i32
        %dma_start3A_49 = tpu.memref_slice %dma_start3A_47[%mul3A_37, %dma_start3A_48] : memref<80x128xi32, #tpu.memory_space<hbm>> -> memref<8x128xi32, #tpu.memory_space<hbm>>
        %dma_start3A_50 = arith.constant 0 : i32
        %dma_start3A_51 = arith.constant 0 : i32
        %dma_start3A_52 = tpu.memref_slice %arg3[%add3A, %dma_start3A_50, %dma_start3A_51] : memref<32x80x128xi32, #tpu.memory_space<hbm>> -> memref<1x80x128xi32, #tpu.memory_space<hbm>>
        %dma_start3A_53 = tpu.memref_squeeze %dma_start3A_52 : memref<1x80x128xi32, #tpu.memory_space<hbm>> -> memref<80x128xi32, #tpu.memory_space<hbm>>
        %dma_start3A_54 = arith.constant 0 : i32
        %dma_start3A_55 = tpu.memref_slice %dma_start3A_53[%mul3A_37, %dma_start3A_54] : memref<80x128xi32, #tpu.memory_space<hbm>> -> memref<8x128xi32, #tpu.memory_space<hbm>>
        tpu.enqueue_dma source(%dma_start3A_55 : memref<8x128xi32, #tpu.memory_space<hbm>>) target(%arg8 : memref<8x128xi32, #tpu.memory_space<vmem>>) target_semaphore(%run_scoped3A : memref<!tpu.dma_semaphore, #tpu.memory_space<semaphore_mem>>)
        %dma_wait3A = arith.constant 0 : i32
        %dma_wait3A_56 = arith.constant 0 : i32
        %dma_wait3A_57 = tpu.memref_slice %arg3[%add3A, %dma_wait3A, %dma_wait3A_56] : memref<32x80x128xi32, #tpu.memory_space<hbm>> -> memref<1x80x128xi32, #tpu.memory_space<hbm>>
        %dma_wait3A_58 = tpu.memref_squeeze %dma_wait3A_57 : memref<1x80x128xi32, #tpu.memory_space<hbm>> -> memref<80x128xi32, #tpu.memory_space<hbm>>
        %dma_wait3A_59 = arith.constant 0 : i32
        %dma_wait3A_60 = tpu.memref_slice %dma_wait3A_58[%mul3A_37, %dma_wait3A_59] : memref<80x128xi32, #tpu.memory_space<hbm>> -> memref<8x128xi32, #tpu.memory_space<hbm>>
        %dma_wait3A_61 = arith.constant 0 : i32
        %dma_wait3A_62 = arith.constant 0 : i32
        %dma_wait3A_63 = tpu.memref_slice %arg3[%add3A, %dma_wait3A_61, %dma_wait3A_62] : memref<32x80x128xi32, #tpu.memory_space<hbm>> -> memref<1x80x128xi32, #tpu.memory_space<hbm>>
        %dma_wait3A_64 = tpu.memref_squeeze %dma_wait3A_63 : memref<1x80x128xi32, #tpu.memory_space<hbm>> -> memref<80x128xi32, #tpu.memory_space<hbm>>
        %dma_wait3A_65 = arith.constant 0 : i32
        %dma_wait3A_66 = tpu.memref_slice %dma_wait3A_64[%mul3A_37, %dma_wait3A_65] : memref<80x128xi32, #tpu.memory_space<hbm>> -> memref<8x128xi32, #tpu.memory_space<hbm>>
        tpu.wait_dma2 semaphore(%run_scoped3A : memref<!tpu.dma_semaphore, #tpu.memory_space<semaphore_mem>>) src(%dma_wait3A_66 : memref<8x128xi32, #tpu.memory_space<hbm>>) dst(%arg8 : memref<8x128xi32, #tpu.memory_space<vmem>>)
        tpu.yield
      }) : () -> ()
      %mul3A_38 = arith.constant 8 : i32
      %mul3A_39 = arith.muli %add3A_35, %mul3A_38 : i32
      "tpu.region"() ({
        %run_scoped3A = tpu.sem_alloc : memref<!tpu.dma_semaphore, #tpu.memory_space<semaphore_mem>>
        %dma_start3A = arith.constant 0 : i32
        %dma_start3A_45 = arith.constant 0 : i32
        %dma_start3A_46 = tpu.memref_slice %arg4[%add3A, %dma_start3A, %dma_start3A_45] : memref<32x80x128xi32, #tpu.memory_space<hbm>> -> memref<1x80x128xi32, #tpu.memory_space<hbm>>
        %dma_start3A_47 = tpu.memref_squeeze %dma_start3A_46 : memref<1x80x128xi32, #tpu.memory_space<hbm>> -> memref<80x128xi32, #tpu.memory_space<hbm>>
        %dma_start3A_48 = arith.constant 0 : i32
        %dma_start3A_49 = tpu.memref_slice %dma_start3A_47[%mul3A_39, %dma_start3A_48] : memref<80x128xi32, #tpu.memory_space<hbm>> -> memref<8x128xi32, #tpu.memory_space<hbm>>
        %dma_start3A_50 = arith.constant 0 : i32
        %dma_start3A_51 = arith.constant 0 : i32
        %dma_start3A_52 = tpu.memref_slice %arg4[%add3A, %dma_start3A_50, %dma_start3A_51] : memref<32x80x128xi32, #tpu.memory_space<hbm>> -> memref<1x80x128xi32, #tpu.memory_space<hbm>>
        %dma_start3A_53 = tpu.memref_squeeze %dma_start3A_52 : memref<1x80x128xi32, #tpu.memory_space<hbm>> -> memref<80x128xi32, #tpu.memory_space<hbm>>
        %dma_start3A_54 = arith.constant 0 : i32
        %dma_start3A_55 = tpu.memref_slice %dma_start3A_53[%mul3A_39, %dma_start3A_54] : memref<80x128xi32, #tpu.memory_space<hbm>> -> memref<8x128xi32, #tpu.memory_space<hbm>>
        tpu.enqueue_dma source(%dma_start3A_55 : memref<8x128xi32, #tpu.memory_space<hbm>>) target(%arg9 : memref<8x128xi32, #tpu.memory_space<vmem>>) target_semaphore(%run_scoped3A : memref<!tpu.dma_semaphore, #tpu.memory_space<semaphore_mem>>)
        %dma_wait3A = arith.constant 0 : i32
        %dma_wait3A_56 = arith.constant 0 : i32
        %dma_wait3A_57 = tpu.memref_slice %arg4[%add3A, %dma_wait3A, %dma_wait3A_56] : memref<32x80x128xi32, #tpu.memory_space<hbm>> -> memref<1x80x128xi32, #tpu.memory_space<hbm>>
        %dma_wait3A_58 = tpu.memref_squeeze %dma_wait3A_57 : memref<1x80x128xi32, #tpu.memory_space<hbm>> -> memref<80x128xi32, #tpu.memory_space<hbm>>
        %dma_wait3A_59 = arith.constant 0 : i32
        %dma_wait3A_60 = tpu.memref_slice %dma_wait3A_58[%mul3A_39, %dma_wait3A_59] : memref<80x128xi32, #tpu.memory_space<hbm>> -> memref<8x128xi32, #tpu.memory_space<hbm>>
        %dma_wait3A_61 = arith.constant 0 : i32
        %dma_wait3A_62 = arith.constant 0 : i32
        %dma_wait3A_63 = tpu.memref_slice %arg4[%add3A, %dma_wait3A_61, %dma_wait3A_62] : memref<32x80x128xi32, #tpu.memory_space<hbm>> -> memref<1x80x128xi32, #tpu.memory_space<hbm>>
        %dma_wait3A_64 = tpu.memref_squeeze %dma_wait3A_63 : memref<1x80x128xi32, #tpu.memory_space<hbm>> -> memref<80x128xi32, #tpu.memory_space<hbm>>
        %dma_wait3A_65 = arith.constant 0 : i32
        %dma_wait3A_66 = tpu.memref_slice %dma_wait3A_64[%mul3A_39, %dma_wait3A_65] : memref<80x128xi32, #tpu.memory_space<hbm>> -> memref<8x128xi32, #tpu.memory_space<hbm>>
        tpu.wait_dma2 semaphore(%run_scoped3A : memref<!tpu.dma_semaphore, #tpu.memory_space<semaphore_mem>>) src(%dma_wait3A_66 : memref<8x128xi32, #tpu.memory_space<hbm>>) dst(%arg9 : memref<8x128xi32, #tpu.memory_space<vmem>>)
        tpu.yield
      }) : () -> ()
      %scan3A_40 = arith.constant 0 : i32
      %scan3A_41 = arith.constant 8 : i32
      %scan3A_42 = arith.addi %scan3A_40, %scan3A_41 : i32
      %scan3A_43 = arith.constant 1 : i32
      scf.for %scan3A_45 = %scan3A_40 to %scan3A_42 step %scan3A_43  : i32 {
        %mul3A_46 = arith.constant 1 : i32
        %mul3A_47 = arith.muli %scan3A_45, %mul3A_46 : i32
        %add3A_48 = arith.constant 0 : i32
        %add3A_49 = arith.addi %add3A_48, %mul3A_47 : i32
        %dma_start3A = arith.constant 0 : i32
        %dma_start3A_50 = tpu.memref_slice %arg8[%add3A_49, %dma_start3A] : memref<8x128xi32, #tpu.memory_space<vmem>> -> memref<1x128xi32, #tpu.memory_space<vmem>>
        %dma_start3A_51 = tpu.memref_squeeze %dma_start3A_50 : memref<1x128xi32, #tpu.memory_space<vmem>> -> memref<128xi32, #tpu.memory_space<vmem>>
        %dma_start3A_52 = arith.constant 0 : i32
        %dma_start3A_53 = arith.constant 0 : i32
        %dma_start3A_54 = tpu.memref_slice %arg2[%dma_start3A_52, %dma_start3A_53] : memref<10240x128xf32, #tpu.memory_space<hbm>> -> memref<10240x128xf32, #tpu.memory_space<hbm>>
        tpu.enqueue_indirect_dma source(%dma_start3A_54 : memref<10240x128xf32, #tpu.memory_space<hbm>>) target(%arg10 : memref<128x128xf32, #tpu.memory_space<vmem>>) offsets(%dma_start3A_51 : memref<128xi32, #tpu.memory_space<vmem>>) semaphore(%arg12 : memref<!tpu.dma_semaphore, #tpu.memory_space<semaphore_mem>>)
        %dma_wait3A = arith.constant 0 : i32
        %dma_wait3A_55 = tpu.memref_slice %arg8[%add3A_49, %dma_wait3A] : memref<8x128xi32, #tpu.memory_space<vmem>> -> memref<1x128xi32, #tpu.memory_space<vmem>>
        %dma_wait3A_56 = tpu.memref_squeeze %dma_wait3A_55 : memref<1x128xi32, #tpu.memory_space<vmem>> -> memref<128xi32, #tpu.memory_space<vmem>>
        %dma_wait3A_57 = arith.constant 0 : i32
        %dma_wait3A_58 = arith.constant 0 : i32
        %dma_wait3A_59 = tpu.memref_slice %arg2[%dma_wait3A_57, %dma_wait3A_58] : memref<10240x128xf32, #tpu.memory_space<hbm>> -> memref<10240x128xf32, #tpu.memory_space<hbm>>
        tpu.wait_indirect_dma semaphore(%arg12 : memref<!tpu.dma_semaphore, #tpu.memory_space<semaphore_mem>>) src(%dma_wait3A_59 : memref<10240x128xf32, #tpu.memory_space<hbm>>) dst(%arg10 : memref<128x128xf32, #tpu.memory_space<vmem>>)
        "tpu.region"() ({
          %run_scoped3A = tpu.sem_alloc : memref<!tpu.dma_semaphore, #tpu.memory_space<semaphore_mem>>
          %dma_start3A_83 = arith.constant 0 : i32
          %dma_start3A_84 = tpu.memref_slice %arg9[%add3A_49, %dma_start3A_83] : memref<8x128xi32, #tpu.memory_space<vmem>> -> memref<1x128xi32, #tpu.memory_space<vmem>>
          %dma_start3A_85 = tpu.memref_squeeze %dma_start3A_84 : memref<1x128xi32, #tpu.memory_space<vmem>> -> memref<128xi32, #tpu.memory_space<vmem>>
          %dma_start3A_86 = arith.constant 0 : i32
          %dma_start3A_87 = arith.constant 0 : i32
          %dma_start3A_88 = tpu.memref_slice %arg7[%dma_start3A_86, %dma_start3A_87] : memref<10240x128xf32, #tpu.memory_space<vmem_shared>> -> memref<10240x128xf32, #tpu.memory_space<vmem_shared>>
          tpu.enqueue_indirect_dma source(%arg10 : memref<128x128xf32, #tpu.memory_space<vmem>>) target(%dma_start3A_88 : memref<10240x128xf32, #tpu.memory_space<vmem_shared>>) offsets(%dma_start3A_85 : memref<128xi32, #tpu.memory_space<vmem>>) semaphore(%run_scoped3A : memref<!tpu.dma_semaphore, #tpu.memory_space<semaphore_mem>>) {add = true}
          %dma_wait3A_89 = arith.constant 0 : i32
          %dma_wait3A_90 = tpu.memref_slice %arg9[%add3A_49, %dma_wait3A_89] : memref<8x128xi32, #tpu.memory_space<vmem>> -> memref<1x128xi32, #tpu.memory_space<vmem>>
          %dma_wait3A_91 = tpu.memref_squeeze %dma_wait3A_90 : memref<1x128xi32, #tpu.memory_space<vmem>> -> memref<128xi32, #tpu.memory_space<vmem>>
          %dma_wait3A_92 = arith.constant 0 : i32
          %dma_wait3A_93 = arith.constant 0 : i32
          %dma_wait3A_94 = tpu.memref_slice %arg7[%dma_wait3A_92, %dma_wait3A_93] : memref<10240x128xf32, #tpu.memory_space<vmem_shared>> -> memref<10240x128xf32, #tpu.memory_space<vmem_shared>>
          tpu.wait_indirect_dma semaphore(%run_scoped3A : memref<!tpu.dma_semaphore, #tpu.memory_space<semaphore_mem>>) src(%arg10 : memref<128x128xf32, #tpu.memory_space<vmem>>) dst(%dma_wait3A_94 : memref<10240x128xf32, #tpu.memory_space<vmem_shared>>)
          tpu.yield
        }) : () -> ()
        %get3A = arith.index_cast %add3A_49 : i32 to index
        %get3A_60 = arith.constant 0 : index
        %get3A_61 = tpu.vector_load %arg9[%get3A, %get3A_60] {strides = array<i32>} : memref<8x128xi32, #tpu.memory_space<vmem>>, vector<16xi32>,
        tpu.vector_store_idx %arg13[%get3A_61], %broadcast_in_dim3A_19 {add = true} : memref<10240xf32, #tpu.memory_space<vmem>>[vector<16xi32>], vector<16xf32>,
        %get3A_62 = arith.index_cast %add3A_49 : i32 to index
        %get3A_63 = arith.constant 16 : index
        %get3A_64 = tpu.vector_load %arg9[%get3A_62, %get3A_63] {strides = array<i32>} : memref<8x128xi32, #tpu.memory_space<vmem>>, vector<16xi32>,
        tpu.vector_store_idx %arg13[%get3A_64], %broadcast_in_dim3A_19 {add = true} : memref<10240xf32, #tpu.memory_space<vmem>>[vector<16xi32>], vector<16xf32>,
        %get3A_65 = arith.index_cast %add3A_49 : i32 to index
        %get3A_66 = arith.constant 32 : index
        %get3A_67 = tpu.vector_load %arg9[%get3A_65, %get3A_66] {strides = array<i32>} : memref<8x128xi32, #tpu.memory_space<vmem>>, vector<16xi32>,
        tpu.vector_store_idx %arg13[%get3A_67], %broadcast_in_dim3A_19 {add = true} : memref<10240xf32, #tpu.memory_space<vmem>>[vector<16xi32>], vector<16xf32>,
        %get3A_68 = arith.index_cast %add3A_49 : i32 to index
        %get3A_69 = arith.constant 48 : index
        %get3A_70 = tpu.vector_load %arg9[%get3A_68, %get3A_69] {strides = array<i32>} : memref<8x128xi32, #tpu.memory_space<vmem>>, vector<16xi32>,
        tpu.vector_store_idx %arg13[%get3A_70], %broadcast_in_dim3A_19 {add = true} : memref<10240xf32, #tpu.memory_space<vmem>>[vector<16xi32>], vector<16xf32>,
        %get3A_71 = arith.index_cast %add3A_49 : i32 to index
        %get3A_72 = arith.constant 64 : index
        %get3A_73 = tpu.vector_load %arg9[%get3A_71, %get3A_72] {strides = array<i32>} : memref<8x128xi32, #tpu.memory_space<vmem>>, vector<16xi32>,
        tpu.vector_store_idx %arg13[%get3A_73], %broadcast_in_dim3A_19 {add = true} : memref<10240xf32, #tpu.memory_space<vmem>>[vector<16xi32>], vector<16xf32>,
        %get3A_74 = arith.index_cast %add3A_49 : i32 to index
        %get3A_75 = arith.constant 80 : index
        %get3A_76 = tpu.vector_load %arg9[%get3A_74, %get3A_75] {strides = array<i32>} : memref<8x128xi32, #tpu.memory_space<vmem>>, vector<16xi32>,
        tpu.vector_store_idx %arg13[%get3A_76], %broadcast_in_dim3A_19 {add = true} : memref<10240xf32, #tpu.memory_space<vmem>>[vector<16xi32>], vector<16xf32>,
        %get3A_77 = arith.index_cast %add3A_49 : i32 to index
        %get3A_78 = arith.constant 96 : index
        %get3A_79 = tpu.vector_load %arg9[%get3A_77, %get3A_78] {strides = array<i32>} : memref<8x128xi32, #tpu.memory_space<vmem>>, vector<16xi32>,
        tpu.vector_store_idx %arg13[%get3A_79], %broadcast_in_dim3A_19 {add = true} : memref<10240xf32, #tpu.memory_space<vmem>>[vector<16xi32>], vector<16xf32>,
        %get3A_80 = arith.index_cast %add3A_49 : i32 to index
        %get3A_81 = arith.constant 112 : index
        %get3A_82 = tpu.vector_load %arg9[%get3A_80, %get3A_81] {strides = array<i32>} : memref<8x128xi32, #tpu.memory_space<vmem>>, vector<16xi32>,
        tpu.vector_store_idx %arg13[%get3A_82], %broadcast_in_dim3A_19 {add = true} : memref<10240xf32, #tpu.memory_space<vmem>>[vector<16xi32>], vector<16xf32>,
      }
      %scan3A_44 = arith.constant 8 : i32
    }
    %scan3A_24 = arith.constant 10 : i32
    %barrier3A_25 = arith.constant 0 : index
    tpu.barrier barrier_id(%barrier3A_25)
    %scan3A_26 = arith.constant 0 : i32
    %scan3A_27 = arith.constant 5 : i32
    %scan3A_28 = arith.addi %scan3A_26, %scan3A_27 : i32
    %scan3A_29 = arith.constant 1 : i32
    scf.for %scan3A_31 = %scan3A_26 to %scan3A_28 step %scan3A_29  : i32 {
      %mul3A_32 = arith.constant 1 : i32
      %mul3A_33 = arith.muli %scan3A_31, %mul3A_32 : i32
      %add3A_34 = arith.constant 0 : i32
      %add3A_35 = arith.addi %add3A_34, %mul3A_33 : i32
      %mul3A_36 = arith.constant 128 : i32
      %mul3A_37 = arith.muli %add3A_35, %mul3A_36 : i32
      %add3A_38 = arith.addi %mul3A_2, %mul3A_37 : i32
      "tpu.region"() ({
        %run_scoped3A = tpu.sem_alloc : memref<!tpu.dma_semaphore, #tpu.memory_space<semaphore_mem>>
        %dma_start3A = arith.constant 0 : i32
        %dma_start3A_39 = tpu.memref_slice %arg7[%add3A_38, %dma_start3A] : memref<10240x128xf32, #tpu.memory_space<vmem_shared>> -> memref<128x128xf32, #tpu.memory_space<vmem_shared>>
        %dma_start3A_40 = arith.constant 0 : i32
        %dma_start3A_41 = tpu.memref_slice %arg7[%add3A_38, %dma_start3A_40] : memref<10240x128xf32, #tpu.memory_space<vmem_shared>> -> memref<128x128xf32, #tpu.memory_space<vmem_shared>>
        tpu.enqueue_dma source(%dma_start3A_41 : memref<128x128xf32, #tpu.memory_space<vmem_shared>>) target(%arg10 : memref<128x128xf32, #tpu.memory_space<vmem>>) target_semaphore(%run_scoped3A : memref<!tpu.dma_semaphore, #tpu.memory_space<semaphore_mem>>)
        %dma_wait3A = arith.constant 0 : i32
        %dma_wait3A_42 = tpu.memref_slice %arg7[%add3A_38, %dma_wait3A] : memref<10240x128xf32, #tpu.memory_space<vmem_shared>> -> memref<128x128xf32, #tpu.memory_space<vmem_shared>>
        %dma_wait3A_43 = arith.constant 0 : i32
        %dma_wait3A_44 = tpu.memref_slice %arg7[%add3A_38, %dma_wait3A_43] : memref<10240x128xf32, #tpu.memory_space<vmem_shared>> -> memref<128x128xf32, #tpu.memory_space<vmem_shared>>
        tpu.wait_dma2 semaphore(%run_scoped3A : memref<!tpu.dma_semaphore, #tpu.memory_space<semaphore_mem>>) src(%dma_wait3A_44 : memref<128x128xf32, #tpu.memory_space<vmem_shared>>) dst(%arg10 : memref<128x128xf32, #tpu.memory_space<vmem>>)
        tpu.yield
      }) : () -> ()
      "tpu.region"() ({
        %run_scoped3A = tpu.sem_alloc : memref<!tpu.dma_semaphore, #tpu.memory_space<semaphore_mem>>
        %dma_start3A = arith.constant 0 : i32
        %dma_start3A_39 = arith.constant 0 : i32
        %dma_start3A_40 = tpu.memref_slice %arg5[%arg0, %dma_start3A, %dma_start3A_39] : memref<2x10240x128xf32, #tpu.memory_space<hbm>> -> memref<1x10240x128xf32, #tpu.memory_space<hbm>>
        %dma_start3A_41 = tpu.memref_squeeze %dma_start3A_40 : memref<1x10240x128xf32, #tpu.memory_space<hbm>> -> memref<10240x128xf32, #tpu.memory_space<hbm>>
        %dma_start3A_42 = arith.constant 0 : i32
        %dma_start3A_43 = tpu.memref_slice %dma_start3A_41[%add3A_38, %dma_start3A_42] : memref<10240x128xf32, #tpu.memory_space<hbm>> -> memref<128x128xf32, #tpu.memory_space<hbm>>
        %dma_start3A_44 = arith.constant 0 : i32
        %dma_start3A_45 = arith.constant 0 : i32
        %dma_start3A_46 = tpu.memref_slice %arg5[%arg0, %dma_start3A_44, %dma_start3A_45] : memref<2x10240x128xf32, #tpu.memory_space<hbm>> -> memref<1x10240x128xf32, #tpu.memory_space<hbm>>
        %dma_start3A_47 = tpu.memref_squeeze %dma_start3A_46 : memref<1x10240x128xf32, #tpu.memory_space<hbm>> -> memref<10240x128xf32, #tpu.memory_space<hbm>>
        %dma_start3A_48 = arith.constant 0 : i32
        %dma_start3A_49 = tpu.memref_slice %dma_start3A_47[%add3A_38, %dma_start3A_48] : memref<10240x128xf32, #tpu.memory_space<hbm>> -> memref<128x128xf32, #tpu.memory_space<hbm>>
        tpu.enqueue_dma source(%arg10 : memref<128x128xf32, #tpu.memory_space<vmem>>) target(%dma_start3A_49 : memref<128x128xf32, #tpu.memory_space<hbm>>) target_semaphore(%run_scoped3A : memref<!tpu.dma_semaphore, #tpu.memory_space<semaphore_mem>>)
        %dma_wait3A = arith.constant 0 : i32
        %dma_wait3A_50 = arith.constant 0 : i32
        %dma_wait3A_51 = tpu.memref_slice %arg5[%arg0, %dma_wait3A, %dma_wait3A_50] : memref<2x10240x128xf32, #tpu.memory_space<hbm>> -> memref<1x10240x128xf32, #tpu.memory_space<hbm>>
        %dma_wait3A_52 = tpu.memref_squeeze %dma_wait3A_51 : memref<1x10240x128xf32, #tpu.memory_space<hbm>> -> memref<10240x128xf32, #tpu.memory_space<hbm>>
        %dma_wait3A_53 = arith.constant 0 : i32
        %dma_wait3A_54 = tpu.memref_slice %dma_wait3A_52[%add3A_38, %dma_wait3A_53] : memref<10240x128xf32, #tpu.memory_space<hbm>> -> memref<128x128xf32, #tpu.memory_space<hbm>>
        %dma_wait3A_55 = arith.constant 0 : i32
        %dma_wait3A_56 = arith.constant 0 : i32
        %dma_wait3A_57 = tpu.memref_slice %arg5[%arg0, %dma_wait3A_55, %dma_wait3A_56] : memref<2x10240x128xf32, #tpu.memory_space<hbm>> -> memref<1x10240x128xf32, #tpu.memory_space<hbm>>
        %dma_wait3A_58 = tpu.memref_squeeze %dma_wait3A_57 : memref<1x10240x128xf32, #tpu.memory_space<hbm>> -> memref<10240x128xf32, #tpu.memory_space<hbm>>
        %dma_wait3A_59 = arith.constant 0 : i32
        %dma_wait3A_60 = tpu.memref_slice %dma_wait3A_58[%add3A_38, %dma_wait3A_59] : memref<10240x128xf32, #tpu.memory_space<hbm>> -> memref<128x128xf32, #tpu.memory_space<hbm>>
        tpu.wait_dma2 semaphore(%run_scoped3A : memref<!tpu.dma_semaphore, #tpu.memory_space<semaphore_mem>>) src(%arg10 : memref<128x128xf32, #tpu.memory_space<vmem>>) dst(%dma_wait3A_60 : memref<128x128xf32, #tpu.memory_space<hbm>>)
        tpu.yield
      }) : () -> ()
    }
    %scan3A_30 = arith.constant 5 : i32
    "tpu.region"() ({
      %run_scoped3A = tpu.sem_alloc : memref<!tpu.dma_semaphore, #tpu.memory_space<semaphore_mem>>
      %dma_start3A = arith.constant 0 : i32
      %dma_start3A_31 = tpu.memref_slice %arg6[%add3A, %dma_start3A] : memref<32x10240xf32, #tpu.memory_space<hbm>> -> memref<1x10240xf32, #tpu.memory_space<hbm>>
      %dma_start3A_32 = tpu.memref_squeeze %dma_start3A_31 : memref<1x10240xf32, #tpu.memory_space<hbm>> -> memref<10240xf32, #tpu.memory_space<hbm>>
      %dma_start3A_33 = arith.constant 0 : i32
      %dma_start3A_34 = tpu.memref_slice %arg6[%add3A, %dma_start3A_33] : memref<32x10240xf32, #tpu.memory_space<hbm>> -> memref<1x10240xf32, #tpu.memory_space<hbm>>
      %dma_start3A_35 = tpu.memref_squeeze %dma_start3A_34 : memref<1x10240xf32, #tpu.memory_space<hbm>> -> memref<10240xf32, #tpu.memory_space<hbm>>
      tpu.enqueue_dma source(%arg13 : memref<10240xf32, #tpu.memory_space<vmem>>) target(%dma_start3A_35 : memref<10240xf32, #tpu.memory_space<hbm>>) target_semaphore(%run_scoped3A : memref<!tpu.dma_semaphore, #tpu.memory_space<semaphore_mem>>)
      %dma_wait3A = arith.constant 0 : i32
      %dma_wait3A_36 = tpu.memref_slice %arg6[%add3A, %dma_wait3A] : memref<32x10240xf32, #tpu.memory_space<hbm>> -> memref<1x10240xf32, #tpu.memory_space<hbm>>
      %dma_wait3A_37 = tpu.memref_squeeze %dma_wait3A_36 : memref<1x10240xf32, #tpu.memory_space<hbm>> -> memref<10240xf32, #tpu.memory_space<hbm>>
      %dma_wait3A_38 = arith.constant 0 : i32
      %dma_wait3A_39 = tpu.memref_slice %arg6[%add3A, %dma_wait3A_38] : memref<32x10240xf32, #tpu.memory_space<hbm>> -> memref<1x10240xf32, #tpu.memory_space<hbm>>
      %dma_wait3A_40 = tpu.memref_squeeze %dma_wait3A_39 : memref<1x10240xf32, #tpu.memory_space<hbm>> -> memref<10240xf32, #tpu.memory_space<hbm>>
      tpu.wait_dma2 semaphore(%run_scoped3A : memref<!tpu.dma_semaphore, #tpu.memory_space<semaphore_mem>>) src(%arg13 : memref<10240xf32, #tpu.memory_space<vmem>>) dst(%dma_wait3A_40 : memref<10240xf32, #tpu.memory_space<hbm>>)
      tpu.yield
    }) : () -> ()
    return
  }
}

#map = affine_map<(d0, d1) -> (0, 0)>
#map1 = affine_map<(d0, d1) -> (0, 0, 0)>
module attributes {stable_mosaic.version = 14 : i64} {
  func.func @body(%arg0: i32, %arg1: i32, %arg2: memref<10240x128xf32, #tpu.memory_space<hbm>>, %arg3: memref<32x80x128xi32, #tpu.memory_space<hbm>>, %arg4: memref<32x80x128xi32, #tpu.memory_space<hbm>>, %arg5: memref<2x10240x128xf32, #tpu.memory_space<hbm>>, %arg6: memref<10240x128xf32, #tpu.memory_space<vmem_shared>>, %arg7: memref<8x128xi32, #tpu.memory_space<vmem>>, %arg8: memref<8x128xi32, #tpu.memory_space<vmem>>, %arg9: memref<128x128xf32, #tpu.memory_space<vmem>>, %arg10: memref<16x128xf32, #tpu.memory_space<vmem>>, %arg11: memref<!tpu.dma_semaphore, #tpu.memory_space<semaphore_mem>>) attributes {dimension_semantics = [#tpu.dimension_semantics<core_parallel>, #tpu.dimension_semantics<subcore_parallel>], iteration_bounds = array<i64: 2, 16>, scalar_prefetch = 0 : i64, scratch_operands = 6 : i64, tpu.core_type = #tpu.core_type<sc_vector_subcore>, window_params = [{transform_indices = #map}, {transform_indices = #map1}, {transform_indices = #map1}, {transform_indices = #map1}]} {
    %mul3A = arith.constant 2 : i32
    %mul3A_0 = arith.muli %arg1, %mul3A : i32
    %add3A = arith.addi %mul3A_0, %arg0 : i32
    %mul3A_1 = arith.constant 640 : i32
    %mul3A_2 = arith.muli %arg1, %mul3A_1 : i32
    %broadcast_in_dim3A = arith.constant 0.000000e+00 : f32
    %broadcast_in_dim3A_3 = vector.broadcast %broadcast_in_dim3A : f32 to vector<16xf32>
    %scan3A = arith.constant 0 : i32
    %scan3A_4 = arith.constant 16 : i32
    %scan3A_5 = arith.addi %scan3A, %scan3A_4 : i32
    %scan3A_6 = arith.constant 1 : i32
    scf.for %scan3A_26 = %scan3A to %scan3A_5 step %scan3A_6  : i32 {
      %mul3A_27 = arith.constant 1 : i32
      %mul3A_28 = arith.muli %scan3A_26, %mul3A_27 : i32
      %add3A_29 = arith.constant 0 : i32
      %add3A_30 = arith.addi %add3A_29, %mul3A_28 : i32
      %swap3A = arith.index_cast %add3A_30 : i32 to index
      %swap3A_31 = arith.constant 0 : index
      %swap3A_32 = tpu.vector_load %arg10[%swap3A, %swap3A_31] {strides = array<i32>} : memref<16x128xf32, #tpu.memory_space<vmem>>, vector<16xf32>,
      tpu.vector_store %arg10[%swap3A, %swap3A_31], %broadcast_in_dim3A_3 {strides = array<i32>} : memref<16x128xf32, #tpu.memory_space<vmem>>, vector<16xf32>,
      %swap3A_33 = arith.index_cast %add3A_30 : i32 to index
      %swap3A_34 = arith.constant 16 : index
      %swap3A_35 = tpu.vector_load %arg10[%swap3A_33, %swap3A_34] {strides = array<i32>} : memref<16x128xf32, #tpu.memory_space<vmem>>, vector<16xf32>,
      tpu.vector_store %arg10[%swap3A_33, %swap3A_34], %broadcast_in_dim3A_3 {strides = array<i32>} : memref<16x128xf32, #tpu.memory_space<vmem>>, vector<16xf32>,
      %swap3A_36 = arith.index_cast %add3A_30 : i32 to index
      %swap3A_37 = arith.constant 32 : index
      %swap3A_38 = tpu.vector_load %arg10[%swap3A_36, %swap3A_37] {strides = array<i32>} : memref<16x128xf32, #tpu.memory_space<vmem>>, vector<16xf32>,
      tpu.vector_store %arg10[%swap3A_36, %swap3A_37], %broadcast_in_dim3A_3 {strides = array<i32>} : memref<16x128xf32, #tpu.memory_space<vmem>>, vector<16xf32>,
      %swap3A_39 = arith.index_cast %add3A_30 : i32 to index
      %swap3A_40 = arith.constant 48 : index
      %swap3A_41 = tpu.vector_load %arg10[%swap3A_39, %swap3A_40] {strides = array<i32>} : memref<16x128xf32, #tpu.memory_space<vmem>>, vector<16xf32>,
      tpu.vector_store %arg10[%swap3A_39, %swap3A_40], %broadcast_in_dim3A_3 {strides = array<i32>} : memref<16x128xf32, #tpu.memory_space<vmem>>, vector<16xf32>,
      %swap3A_42 = arith.index_cast %add3A_30 : i32 to index
      %swap3A_43 = arith.constant 64 : index
      %swap3A_44 = tpu.vector_load %arg10[%swap3A_42, %swap3A_43] {strides = array<i32>} : memref<16x128xf32, #tpu.memory_space<vmem>>, vector<16xf32>,
      tpu.vector_store %arg10[%swap3A_42, %swap3A_43], %broadcast_in_dim3A_3 {strides = array<i32>} : memref<16x128xf32, #tpu.memory_space<vmem>>, vector<16xf32>,
      %swap3A_45 = arith.index_cast %add3A_30 : i32 to index
      %swap3A_46 = arith.constant 80 : index
      %swap3A_47 = tpu.vector_load %arg10[%swap3A_45, %swap3A_46] {strides = array<i32>} : memref<16x128xf32, #tpu.memory_space<vmem>>, vector<16xf32>,
      tpu.vector_store %arg10[%swap3A_45, %swap3A_46], %broadcast_in_dim3A_3 {strides = array<i32>} : memref<16x128xf32, #tpu.memory_space<vmem>>, vector<16xf32>,
      %swap3A_48 = arith.index_cast %add3A_30 : i32 to index
      %swap3A_49 = arith.constant 96 : index
      %swap3A_50 = tpu.vector_load %arg10[%swap3A_48, %swap3A_49] {strides = array<i32>} : memref<16x128xf32, #tpu.memory_space<vmem>>, vector<16xf32>,
      tpu.vector_store %arg10[%swap3A_48, %swap3A_49], %broadcast_in_dim3A_3 {strides = array<i32>} : memref<16x128xf32, #tpu.memory_space<vmem>>, vector<16xf32>,
      %swap3A_51 = arith.index_cast %add3A_30 : i32 to index
      %swap3A_52 = arith.constant 112 : index
      %swap3A_53 = tpu.vector_load %arg10[%swap3A_51, %swap3A_52] {strides = array<i32>} : memref<16x128xf32, #tpu.memory_space<vmem>>, vector<16xf32>,
      tpu.vector_store %arg10[%swap3A_51, %swap3A_52], %broadcast_in_dim3A_3 {strides = array<i32>} : memref<16x128xf32, #tpu.memory_space<vmem>>, vector<16xf32>,
    }
    %scan3A_7 = arith.constant 16 : i32
    %scan3A_8 = arith.constant 0 : i32
    %scan3A_9 = arith.constant 40 : i32
    %scan3A_10 = arith.addi %scan3A_8, %scan3A_9 : i32
    %scan3A_11 = arith.constant 1 : i32
    scf.for %scan3A_26 = %scan3A_8 to %scan3A_10 step %scan3A_11  : i32 {
      %mul3A_27 = arith.constant 1 : i32
      %mul3A_28 = arith.muli %scan3A_26, %mul3A_27 : i32
      %add3A_29 = arith.constant 0 : i32
      %add3A_30 = arith.addi %add3A_29, %mul3A_28 : i32
      %mul3A_31 = arith.constant 16 : i32
      %mul3A_32 = arith.muli %add3A_30, %mul3A_31 : i32
      %add3A_33 = arith.addi %mul3A_2, %mul3A_32 : i32
      "tpu.region"() ({
        %run_scoped3A = tpu.sem_alloc : memref<!tpu.dma_semaphore, #tpu.memory_space<semaphore_mem>>
        %dma_start3A = arith.constant 0 : i32
        %dma_start3A_34 = tpu.memref_slice %arg6[%add3A_33, %dma_start3A] : memref<10240x128xf32, #tpu.memory_space<vmem_shared>> -> memref<16x128xf32, #tpu.memory_space<vmem_shared>>
        %dma_start3A_35 = arith.constant 0 : i32
        %dma_start3A_36 = tpu.memref_slice %arg6[%add3A_33, %dma_start3A_35] : memref<10240x128xf32, #tpu.memory_space<vmem_shared>> -> memref<16x128xf32, #tpu.memory_space<vmem_shared>>
        tpu.enqueue_dma source(%arg10 : memref<16x128xf32, #tpu.memory_space<vmem>>) target(%dma_start3A_36 : memref<16x128xf32, #tpu.memory_space<vmem_shared>>) target_semaphore(%run_scoped3A : memref<!tpu.dma_semaphore, #tpu.memory_space<semaphore_mem>>)
        %dma_wait3A = arith.constant 0 : i32
        %dma_wait3A_37 = tpu.memref_slice %arg6[%add3A_33, %dma_wait3A] : memref<10240x128xf32, #tpu.memory_space<vmem_shared>> -> memref<16x128xf32, #tpu.memory_space<vmem_shared>>
        %dma_wait3A_38 = arith.constant 0 : i32
        %dma_wait3A_39 = tpu.memref_slice %arg6[%add3A_33, %dma_wait3A_38] : memref<10240x128xf32, #tpu.memory_space<vmem_shared>> -> memref<16x128xf32, #tpu.memory_space<vmem_shared>>
        tpu.wait_dma2 semaphore(%run_scoped3A : memref<!tpu.dma_semaphore, #tpu.memory_space<semaphore_mem>>) src(%arg10 : memref<16x128xf32, #tpu.memory_space<vmem>>) dst(%dma_wait3A_39 : memref<16x128xf32, #tpu.memory_space<vmem_shared>>)
        tpu.yield
      }) : () -> ()
    }
    %scan3A_12 = arith.constant 40 : i32
    %barrier3A = arith.constant 0 : index
    tpu.barrier barrier_id(%barrier3A)
    %broadcast_in_dim3A_13 = arith.constant 1.000000e+00 : f32
    %broadcast_in_dim3A_14 = vector.broadcast %broadcast_in_dim3A_13 : f32 to vector<16xf32>
    %scan3A_15 = arith.constant 0 : i32
    %scan3A_16 = arith.constant 10 : i32
    %scan3A_17 = arith.addi %scan3A_15, %scan3A_16 : i32
    %scan3A_18 = arith.constant 1 : i32
    scf.for %scan3A_26 = %scan3A_15 to %scan3A_17 step %scan3A_18  : i32 {
      %mul3A_27 = arith.constant 1 : i32
      %mul3A_28 = arith.muli %scan3A_26, %mul3A_27 : i32
      %add3A_29 = arith.constant 0 : i32
      %add3A_30 = arith.addi %add3A_29, %mul3A_28 : i32
      %mul3A_31 = arith.constant 8 : i32
      %mul3A_32 = arith.muli %add3A_30, %mul3A_31 : i32
      "tpu.region"() ({
        %run_scoped3A = tpu.sem_alloc : memref<!tpu.dma_semaphore, #tpu.memory_space<semaphore_mem>>
        %dma_start3A = arith.constant 0 : i32
        %dma_start3A_40 = arith.constant 0 : i32
        %dma_start3A_41 = tpu.memref_slice %arg3[%add3A, %dma_start3A, %dma_start3A_40] : memref<32x80x128xi32, #tpu.memory_space<hbm>> -> memref<1x80x128xi32, #tpu.memory_space<hbm>>
        %dma_start3A_42 = tpu.memref_squeeze %dma_start3A_41 : memref<1x80x128xi32, #tpu.memory_space<hbm>> -> memref<80x128xi32, #tpu.memory_space<hbm>>
        %dma_start3A_43 = arith.constant 0 : i32
        %dma_start3A_44 = tpu.memref_slice %dma_start3A_42[%mul3A_32, %dma_start3A_43] : memref<80x128xi32, #tpu.memory_space<hbm>> -> memref<8x128xi32, #tpu.memory_space<hbm>>
        %dma_start3A_45 = arith.constant 0 : i32
        %dma_start3A_46 = arith.constant 0 : i32
        %dma_start3A_47 = tpu.memref_slice %arg3[%add3A, %dma_start3A_45, %dma_start3A_46] : memref<32x80x128xi32, #tpu.memory_space<hbm>> -> memref<1x80x128xi32, #tpu.memory_space<hbm>>
        %dma_start3A_48 = tpu.memref_squeeze %dma_start3A_47 : memref<1x80x128xi32, #tpu.memory_space<hbm>> -> memref<80x128xi32, #tpu.memory_space<hbm>>
        %dma_start3A_49 = arith.constant 0 : i32
        %dma_start3A_50 = tpu.memref_slice %dma_start3A_48[%mul3A_32, %dma_start3A_49] : memref<80x128xi32, #tpu.memory_space<hbm>> -> memref<8x128xi32, #tpu.memory_space<hbm>>
        tpu.enqueue_dma source(%dma_start3A_50 : memref<8x128xi32, #tpu.memory_space<hbm>>) target(%arg7 : memref<8x128xi32, #tpu.memory_space<vmem>>) target_semaphore(%run_scoped3A : memref<!tpu.dma_semaphore, #tpu.memory_space<semaphore_mem>>)
        %dma_wait3A = arith.constant 0 : i32
        %dma_wait3A_51 = arith.constant 0 : i32
        %dma_wait3A_52 = tpu.memref_slice %arg3[%add3A, %dma_wait3A, %dma_wait3A_51] : memref<32x80x128xi32, #tpu.memory_space<hbm>> -> memref<1x80x128xi32, #tpu.memory_space<hbm>>
        %dma_wait3A_53 = tpu.memref_squeeze %dma_wait3A_52 : memref<1x80x128xi32, #tpu.memory_space<hbm>> -> memref<80x128xi32, #tpu.memory_space<hbm>>
        %dma_wait3A_54 = arith.constant 0 : i32
        %dma_wait3A_55 = tpu.memref_slice %dma_wait3A_53[%mul3A_32, %dma_wait3A_54] : memref<80x128xi32, #tpu.memory_space<hbm>> -> memref<8x128xi32, #tpu.memory_space<hbm>>
        %dma_wait3A_56 = arith.constant 0 : i32
        %dma_wait3A_57 = arith.constant 0 : i32
        %dma_wait3A_58 = tpu.memref_slice %arg3[%add3A, %dma_wait3A_56, %dma_wait3A_57] : memref<32x80x128xi32, #tpu.memory_space<hbm>> -> memref<1x80x128xi32, #tpu.memory_space<hbm>>
        %dma_wait3A_59 = tpu.memref_squeeze %dma_wait3A_58 : memref<1x80x128xi32, #tpu.memory_space<hbm>> -> memref<80x128xi32, #tpu.memory_space<hbm>>
        %dma_wait3A_60 = arith.constant 0 : i32
        %dma_wait3A_61 = tpu.memref_slice %dma_wait3A_59[%mul3A_32, %dma_wait3A_60] : memref<80x128xi32, #tpu.memory_space<hbm>> -> memref<8x128xi32, #tpu.memory_space<hbm>>
        tpu.wait_dma2 semaphore(%run_scoped3A : memref<!tpu.dma_semaphore, #tpu.memory_space<semaphore_mem>>) src(%dma_wait3A_61 : memref<8x128xi32, #tpu.memory_space<hbm>>) dst(%arg7 : memref<8x128xi32, #tpu.memory_space<vmem>>)
        tpu.yield
      }) : () -> ()
      %mul3A_33 = arith.constant 8 : i32
      %mul3A_34 = arith.muli %add3A_30, %mul3A_33 : i32
      "tpu.region"() ({
        %run_scoped3A = tpu.sem_alloc : memref<!tpu.dma_semaphore, #tpu.memory_space<semaphore_mem>>
        %dma_start3A = arith.constant 0 : i32
        %dma_start3A_40 = arith.constant 0 : i32
        %dma_start3A_41 = tpu.memref_slice %arg4[%add3A, %dma_start3A, %dma_start3A_40] : memref<32x80x128xi32, #tpu.memory_space<hbm>> -> memref<1x80x128xi32, #tpu.memory_space<hbm>>
        %dma_start3A_42 = tpu.memref_squeeze %dma_start3A_41 : memref<1x80x128xi32, #tpu.memory_space<hbm>> -> memref<80x128xi32, #tpu.memory_space<hbm>>
        %dma_start3A_43 = arith.constant 0 : i32
        %dma_start3A_44 = tpu.memref_slice %dma_start3A_42[%mul3A_34, %dma_start3A_43] : memref<80x128xi32, #tpu.memory_space<hbm>> -> memref<8x128xi32, #tpu.memory_space<hbm>>
        %dma_start3A_45 = arith.constant 0 : i32
        %dma_start3A_46 = arith.constant 0 : i32
        %dma_start3A_47 = tpu.memref_slice %arg4[%add3A, %dma_start3A_45, %dma_start3A_46] : memref<32x80x128xi32, #tpu.memory_space<hbm>> -> memref<1x80x128xi32, #tpu.memory_space<hbm>>
        %dma_start3A_48 = tpu.memref_squeeze %dma_start3A_47 : memref<1x80x128xi32, #tpu.memory_space<hbm>> -> memref<80x128xi32, #tpu.memory_space<hbm>>
        %dma_start3A_49 = arith.constant 0 : i32
        %dma_start3A_50 = tpu.memref_slice %dma_start3A_48[%mul3A_34, %dma_start3A_49] : memref<80x128xi32, #tpu.memory_space<hbm>> -> memref<8x128xi32, #tpu.memory_space<hbm>>
        tpu.enqueue_dma source(%dma_start3A_50 : memref<8x128xi32, #tpu.memory_space<hbm>>) target(%arg8 : memref<8x128xi32, #tpu.memory_space<vmem>>) target_semaphore(%run_scoped3A : memref<!tpu.dma_semaphore, #tpu.memory_space<semaphore_mem>>)
        %dma_wait3A = arith.constant 0 : i32
        %dma_wait3A_51 = arith.constant 0 : i32
        %dma_wait3A_52 = tpu.memref_slice %arg4[%add3A, %dma_wait3A, %dma_wait3A_51] : memref<32x80x128xi32, #tpu.memory_space<hbm>> -> memref<1x80x128xi32, #tpu.memory_space<hbm>>
        %dma_wait3A_53 = tpu.memref_squeeze %dma_wait3A_52 : memref<1x80x128xi32, #tpu.memory_space<hbm>> -> memref<80x128xi32, #tpu.memory_space<hbm>>
        %dma_wait3A_54 = arith.constant 0 : i32
        %dma_wait3A_55 = tpu.memref_slice %dma_wait3A_53[%mul3A_34, %dma_wait3A_54] : memref<80x128xi32, #tpu.memory_space<hbm>> -> memref<8x128xi32, #tpu.memory_space<hbm>>
        %dma_wait3A_56 = arith.constant 0 : i32
        %dma_wait3A_57 = arith.constant 0 : i32
        %dma_wait3A_58 = tpu.memref_slice %arg4[%add3A, %dma_wait3A_56, %dma_wait3A_57] : memref<32x80x128xi32, #tpu.memory_space<hbm>> -> memref<1x80x128xi32, #tpu.memory_space<hbm>>
        %dma_wait3A_59 = tpu.memref_squeeze %dma_wait3A_58 : memref<1x80x128xi32, #tpu.memory_space<hbm>> -> memref<80x128xi32, #tpu.memory_space<hbm>>
        %dma_wait3A_60 = arith.constant 0 : i32
        %dma_wait3A_61 = tpu.memref_slice %dma_wait3A_59[%mul3A_34, %dma_wait3A_60] : memref<80x128xi32, #tpu.memory_space<hbm>> -> memref<8x128xi32, #tpu.memory_space<hbm>>
        tpu.wait_dma2 semaphore(%run_scoped3A : memref<!tpu.dma_semaphore, #tpu.memory_space<semaphore_mem>>) src(%dma_wait3A_61 : memref<8x128xi32, #tpu.memory_space<hbm>>) dst(%arg8 : memref<8x128xi32, #tpu.memory_space<vmem>>)
        tpu.yield
      }) : () -> ()
      %scan3A_35 = arith.constant 0 : i32
      %scan3A_36 = arith.constant 8 : i32
      %scan3A_37 = arith.addi %scan3A_35, %scan3A_36 : i32
      %scan3A_38 = arith.constant 1 : i32
      scf.for %scan3A_40 = %scan3A_35 to %scan3A_37 step %scan3A_38  : i32 {
        %mul3A_41 = arith.constant 1 : i32
        %mul3A_42 = arith.muli %scan3A_40, %mul3A_41 : i32
        %add3A_43 = arith.constant 0 : i32
        %add3A_44 = arith.addi %add3A_43, %mul3A_42 : i32
        %dma_start3A = arith.constant 0 : i32
        %dma_start3A_45 = tpu.memref_slice %arg7[%add3A_44, %dma_start3A] : memref<8x128xi32, #tpu.memory_space<vmem>> -> memref<1x128xi32, #tpu.memory_space<vmem>>
        %dma_start3A_46 = tpu.memref_squeeze %dma_start3A_45 : memref<1x128xi32, #tpu.memory_space<vmem>> -> memref<128xi32, #tpu.memory_space<vmem>>
        %dma_start3A_47 = arith.constant 0 : i32
        %dma_start3A_48 = arith.constant 0 : i32
        %dma_start3A_49 = tpu.memref_slice %arg2[%dma_start3A_47, %dma_start3A_48] : memref<10240x128xf32, #tpu.memory_space<hbm>> -> memref<10240x128xf32, #tpu.memory_space<hbm>>
        tpu.enqueue_indirect_dma source(%dma_start3A_49 : memref<10240x128xf32, #tpu.memory_space<hbm>>) target(%arg9 : memref<128x128xf32, #tpu.memory_space<vmem>>) offsets(%dma_start3A_46 : memref<128xi32, #tpu.memory_space<vmem>>) semaphore(%arg11 : memref<!tpu.dma_semaphore, #tpu.memory_space<semaphore_mem>>)
        %dma_wait3A = arith.constant 0 : i32
        %dma_wait3A_50 = tpu.memref_slice %arg7[%add3A_44, %dma_wait3A] : memref<8x128xi32, #tpu.memory_space<vmem>> -> memref<1x128xi32, #tpu.memory_space<vmem>>
        %dma_wait3A_51 = tpu.memref_squeeze %dma_wait3A_50 : memref<1x128xi32, #tpu.memory_space<vmem>> -> memref<128xi32, #tpu.memory_space<vmem>>
        %dma_wait3A_52 = arith.constant 0 : i32
        %dma_wait3A_53 = arith.constant 0 : i32
        %dma_wait3A_54 = tpu.memref_slice %arg2[%dma_wait3A_52, %dma_wait3A_53] : memref<10240x128xf32, #tpu.memory_space<hbm>> -> memref<10240x128xf32, #tpu.memory_space<hbm>>
        tpu.wait_indirect_dma semaphore(%arg11 : memref<!tpu.dma_semaphore, #tpu.memory_space<semaphore_mem>>) src(%dma_wait3A_54 : memref<10240x128xf32, #tpu.memory_space<hbm>>) dst(%arg9 : memref<128x128xf32, #tpu.memory_space<vmem>>)
        "tpu.region"() ({
          %run_scoped3A = tpu.sem_alloc : memref<!tpu.dma_semaphore, #tpu.memory_space<semaphore_mem>>
          %dma_start3A_55 = arith.constant 0 : i32
          %dma_start3A_56 = tpu.memref_slice %arg8[%add3A_44, %dma_start3A_55] : memref<8x128xi32, #tpu.memory_space<vmem>> -> memref<1x128xi32, #tpu.memory_space<vmem>>
          %dma_start3A_57 = tpu.memref_squeeze %dma_start3A_56 : memref<1x128xi32, #tpu.memory_space<vmem>> -> memref<128xi32, #tpu.memory_space<vmem>>
          %dma_start3A_58 = arith.constant 0 : i32
          %dma_start3A_59 = arith.constant 0 : i32
          %dma_start3A_60 = tpu.memref_slice %arg6[%dma_start3A_58, %dma_start3A_59] : memref<10240x128xf32, #tpu.memory_space<vmem_shared>> -> memref<10240x128xf32, #tpu.memory_space<vmem_shared>>
          tpu.enqueue_indirect_dma source(%arg9 : memref<128x128xf32, #tpu.memory_space<vmem>>) target(%dma_start3A_60 : memref<10240x128xf32, #tpu.memory_space<vmem_shared>>) offsets(%dma_start3A_57 : memref<128xi32, #tpu.memory_space<vmem>>) semaphore(%run_scoped3A : memref<!tpu.dma_semaphore, #tpu.memory_space<semaphore_mem>>) {add = true}
          %dma_wait3A_61 = arith.constant 0 : i32
          %dma_wait3A_62 = tpu.memref_slice %arg8[%add3A_44, %dma_wait3A_61] : memref<8x128xi32, #tpu.memory_space<vmem>> -> memref<1x128xi32, #tpu.memory_space<vmem>>
          %dma_wait3A_63 = tpu.memref_squeeze %dma_wait3A_62 : memref<1x128xi32, #tpu.memory_space<vmem>> -> memref<128xi32, #tpu.memory_space<vmem>>
          %dma_wait3A_64 = arith.constant 0 : i32
          %dma_wait3A_65 = arith.constant 0 : i32
          %dma_wait3A_66 = tpu.memref_slice %arg6[%dma_wait3A_64, %dma_wait3A_65] : memref<10240x128xf32, #tpu.memory_space<vmem_shared>> -> memref<10240x128xf32, #tpu.memory_space<vmem_shared>>
          tpu.wait_indirect_dma semaphore(%run_scoped3A : memref<!tpu.dma_semaphore, #tpu.memory_space<semaphore_mem>>) src(%arg9 : memref<128x128xf32, #tpu.memory_space<vmem>>) dst(%dma_wait3A_66 : memref<10240x128xf32, #tpu.memory_space<vmem_shared>>)
          tpu.yield
        }) : () -> ()
      }
      %scan3A_39 = arith.constant 8 : i32
    }
    %scan3A_19 = arith.constant 10 : i32
    %barrier3A_20 = arith.constant 0 : index
    tpu.barrier barrier_id(%barrier3A_20)
    %scan3A_21 = arith.constant 0 : i32
    %scan3A_22 = arith.constant 5 : i32
    %scan3A_23 = arith.addi %scan3A_21, %scan3A_22 : i32
    %scan3A_24 = arith.constant 1 : i32
    scf.for %scan3A_26 = %scan3A_21 to %scan3A_23 step %scan3A_24  : i32 {
      %mul3A_27 = arith.constant 1 : i32
      %mul3A_28 = arith.muli %scan3A_26, %mul3A_27 : i32
      %add3A_29 = arith.constant 0 : i32
      %add3A_30 = arith.addi %add3A_29, %mul3A_28 : i32
      %mul3A_31 = arith.constant 128 : i32
      %mul3A_32 = arith.muli %add3A_30, %mul3A_31 : i32
      %add3A_33 = arith.addi %mul3A_2, %mul3A_32 : i32
      "tpu.region"() ({
        %run_scoped3A = tpu.sem_alloc : memref<!tpu.dma_semaphore, #tpu.memory_space<semaphore_mem>>
        %dma_start3A = arith.constant 0 : i32
        %dma_start3A_34 = tpu.memref_slice %arg6[%add3A_33, %dma_start3A] : memref<10240x128xf32, #tpu.memory_space<vmem_shared>> -> memref<128x128xf32, #tpu.memory_space<vmem_shared>>
        %dma_start3A_35 = arith.constant 0 : i32
        %dma_start3A_36 = tpu.memref_slice %arg6[%add3A_33, %dma_start3A_35] : memref<10240x128xf32, #tpu.memory_space<vmem_shared>> -> memref<128x128xf32, #tpu.memory_space<vmem_shared>>
        tpu.enqueue_dma source(%dma_start3A_36 : memref<128x128xf32, #tpu.memory_space<vmem_shared>>) target(%arg9 : memref<128x128xf32, #tpu.memory_space<vmem>>) target_semaphore(%run_scoped3A : memref<!tpu.dma_semaphore, #tpu.memory_space<semaphore_mem>>)
        %dma_wait3A = arith.constant 0 : i32
        %dma_wait3A_37 = tpu.memref_slice %arg6[%add3A_33, %dma_wait3A] : memref<10240x128xf32, #tpu.memory_space<vmem_shared>> -> memref<128x128xf32, #tpu.memory_space<vmem_shared>>
        %dma_wait3A_38 = arith.constant 0 : i32
        %dma_wait3A_39 = tpu.memref_slice %arg6[%add3A_33, %dma_wait3A_38] : memref<10240x128xf32, #tpu.memory_space<vmem_shared>> -> memref<128x128xf32, #tpu.memory_space<vmem_shared>>
        tpu.wait_dma2 semaphore(%run_scoped3A : memref<!tpu.dma_semaphore, #tpu.memory_space<semaphore_mem>>) src(%dma_wait3A_39 : memref<128x128xf32, #tpu.memory_space<vmem_shared>>) dst(%arg9 : memref<128x128xf32, #tpu.memory_space<vmem>>)
        tpu.yield
      }) : () -> ()
      "tpu.region"() ({
        %run_scoped3A = tpu.sem_alloc : memref<!tpu.dma_semaphore, #tpu.memory_space<semaphore_mem>>
        %dma_start3A = arith.constant 0 : i32
        %dma_start3A_34 = arith.constant 0 : i32
        %dma_start3A_35 = tpu.memref_slice %arg5[%arg0, %dma_start3A, %dma_start3A_34] : memref<2x10240x128xf32, #tpu.memory_space<hbm>> -> memref<1x10240x128xf32, #tpu.memory_space<hbm>>
        %dma_start3A_36 = tpu.memref_squeeze %dma_start3A_35 : memref<1x10240x128xf32, #tpu.memory_space<hbm>> -> memref<10240x128xf32, #tpu.memory_space<hbm>>
        %dma_start3A_37 = arith.constant 0 : i32
        %dma_start3A_38 = tpu.memref_slice %dma_start3A_36[%add3A_33, %dma_start3A_37] : memref<10240x128xf32, #tpu.memory_space<hbm>> -> memref<128x128xf32, #tpu.memory_space<hbm>>
        %dma_start3A_39 = arith.constant 0 : i32
        %dma_start3A_40 = arith.constant 0 : i32
        %dma_start3A_41 = tpu.memref_slice %arg5[%arg0, %dma_start3A_39, %dma_start3A_40] : memref<2x10240x128xf32, #tpu.memory_space<hbm>> -> memref<1x10240x128xf32, #tpu.memory_space<hbm>>
        %dma_start3A_42 = tpu.memref_squeeze %dma_start3A_41 : memref<1x10240x128xf32, #tpu.memory_space<hbm>> -> memref<10240x128xf32, #tpu.memory_space<hbm>>
        %dma_start3A_43 = arith.constant 0 : i32
        %dma_start3A_44 = tpu.memref_slice %dma_start3A_42[%add3A_33, %dma_start3A_43] : memref<10240x128xf32, #tpu.memory_space<hbm>> -> memref<128x128xf32, #tpu.memory_space<hbm>>
        tpu.enqueue_dma source(%arg9 : memref<128x128xf32, #tpu.memory_space<vmem>>) target(%dma_start3A_44 : memref<128x128xf32, #tpu.memory_space<hbm>>) target_semaphore(%run_scoped3A : memref<!tpu.dma_semaphore, #tpu.memory_space<semaphore_mem>>)
        %dma_wait3A = arith.constant 0 : i32
        %dma_wait3A_45 = arith.constant 0 : i32
        %dma_wait3A_46 = tpu.memref_slice %arg5[%arg0, %dma_wait3A, %dma_wait3A_45] : memref<2x10240x128xf32, #tpu.memory_space<hbm>> -> memref<1x10240x128xf32, #tpu.memory_space<hbm>>
        %dma_wait3A_47 = tpu.memref_squeeze %dma_wait3A_46 : memref<1x10240x128xf32, #tpu.memory_space<hbm>> -> memref<10240x128xf32, #tpu.memory_space<hbm>>
        %dma_wait3A_48 = arith.constant 0 : i32
        %dma_wait3A_49 = tpu.memref_slice %dma_wait3A_47[%add3A_33, %dma_wait3A_48] : memref<10240x128xf32, #tpu.memory_space<hbm>> -> memref<128x128xf32, #tpu.memory_space<hbm>>
        %dma_wait3A_50 = arith.constant 0 : i32
        %dma_wait3A_51 = arith.constant 0 : i32
        %dma_wait3A_52 = tpu.memref_slice %arg5[%arg0, %dma_wait3A_50, %dma_wait3A_51] : memref<2x10240x128xf32, #tpu.memory_space<hbm>> -> memref<1x10240x128xf32, #tpu.memory_space<hbm>>
        %dma_wait3A_53 = tpu.memref_squeeze %dma_wait3A_52 : memref<1x10240x128xf32, #tpu.memory_space<hbm>> -> memref<10240x128xf32, #tpu.memory_space<hbm>>
        %dma_wait3A_54 = arith.constant 0 : i32
        %dma_wait3A_55 = tpu.memref_slice %dma_wait3A_53[%add3A_33, %dma_wait3A_54] : memref<10240x128xf32, #tpu.memory_space<hbm>> -> memref<128x128xf32, #tpu.memory_space<hbm>>
        tpu.wait_dma2 semaphore(%run_scoped3A : memref<!tpu.dma_semaphore, #tpu.memory_space<semaphore_mem>>) src(%arg9 : memref<128x128xf32, #tpu.memory_space<vmem>>) dst(%dma_wait3A_55 : memref<128x128xf32, #tpu.memory_space<hbm>>)
        tpu.yield
      }) : () -> ()
    }
    %scan3A_25 = arith.constant 5 : i32
    return
  }
}

module attributes {stable_mosaic.version = 14 : i64} {
  func.func @_tc1_body(%arg0: i32, %arg1: memref<1280x128xf32, #tpu.memory_space<vmem>>, %arg2: memref<128x128xf32, #tpu.memory_space<vmem>>, %arg3: memref<128x128xf32, #tpu.memory_space<vmem>>, %arg4: memref<1280x128xf32, #tpu.memory_space<vmem>>, %arg5: memref<1280x128xf32, #tpu.memory_space<vmem>>) attributes {dimension_semantics = [#tpu.dimension_semantics<arbitrary>], iteration_bounds = array<i64: 8>, scalar_prefetch = 0 : i64, scratch_operands = 0 : i64, tpu.core_type = #tpu.core_type<tc>, window_params = [{transform_indices = @transform_0, window_bounds = array<i64: 1280, 128>}, {pipeline_mode = #tpu.pipeline_mode<synchronous>, transform_indices = @transform_1, window_bounds = array<i64: 128, 128>}, {pipeline_mode = #tpu.pipeline_mode<synchronous>, transform_indices = @transform_2, window_bounds = array<i64: 128, 128>}, {transform_indices = @transform_3, window_bounds = array<i64: 1280, 128>}, {transform_indices = @transform_4, window_bounds = array<i64: 1280, 128>}]} {
    %get3A = arith.constant 0 : index
    %get3A_0 = arith.constant 0 : index
    %get3A_1 = vector.load %arg1[%get3A, %get3A_0] : memref<1280x128xf32, #tpu.memory_space<vmem>>, vector<1280x128xf32>
    %get3A_2 = arith.constant 0 : index
    %get3A_3 = arith.constant 0 : index
    %get3A_4 = vector.load %arg2[%get3A_2, %get3A_3] : memref<128x128xf32, #tpu.memory_space<vmem>>, vector<128x128xf32>
    %dot_general3A = arith.constant dense<0.000000e+00> : vector<1280x128xf32>
    %dot_general3A_5 = tpu.matmul %get3A_1, %get3A_4, %dot_general3A {dimension_numbers = #tpu.dot_dimension_numbers<[1], [0], [0], [1], [0, 0, 1, 1], [], []>, transpose_lhs_hint = false} : vector<1280x128xf32>, vector<128x128xf32>, vector<1280x128xf32> -> vector<1280x128xf32>
    %swap3A = arith.constant 0 : index
    %swap3A_6 = arith.constant 0 : index
    %swap3A_7 = vector.load %arg4[%swap3A, %swap3A_6] : memref<1280x128xf32, #tpu.memory_space<vmem>>, vector<1280x128xf32>
    tpu.vector_store %arg4[%swap3A, %swap3A_6], %dot_general3A_5 {strides = array<i32>} : memref<1280x128xf32, #tpu.memory_space<vmem>>, vector<1280x128xf32>,
    %get3A_8 = arith.constant 0 : index
    %get3A_9 = arith.constant 0 : index
    %get3A_10 = vector.load %arg3[%get3A_8, %get3A_9] : memref<128x128xf32, #tpu.memory_space<vmem>>, vector<128x128xf32>
    %dot_general3A_11 = arith.constant dense<0.000000e+00> : vector<1280x128xf32>
    %dot_general3A_12 = tpu.matmul %get3A_1, %get3A_10, %dot_general3A_11 {dimension_numbers = #tpu.dot_dimension_numbers<[1], [0], [0], [1], [0, 0, 1, 1], [], []>, transpose_lhs_hint = false} : vector<1280x128xf32>, vector<128x128xf32>, vector<1280x128xf32> -> vector<1280x128xf32>
    %swap3A_13 = arith.constant 0 : index
    %swap3A_14 = arith.constant 0 : index
    %swap3A_15 = vector.load %arg5[%swap3A_13, %swap3A_14] : memref<1280x128xf32, #tpu.memory_space<vmem>>, vector<1280x128xf32>
    tpu.vector_store %arg5[%swap3A_13, %swap3A_14], %dot_general3A_12 {strides = array<i32>} : memref<1280x128xf32, #tpu.memory_space<vmem>>, vector<1280x128xf32>,
    return
  }
  func.func @transform_0(%arg0: i32) -> (i32, i32) {
    %c0_i32 = arith.constant 0 : i32
    %c0_i32_0 = arith.constant 0 : i32
    return %arg0, %c0_i32 : i32, i32
  }
  func.func @transform_1(%arg0: i32) -> (i32, i32) {
    %c0_i32 = arith.constant 0 : i32
    %c0_i32_0 = arith.constant 0 : i32
    %c0_i32_1 = arith.constant 0 : i32
    return %c0_i32, %c0_i32_0 : i32, i32
  }
  func.func @transform_2(%arg0: i32) -> (i32, i32) {
    %c0_i32 = arith.constant 0 : i32
    %c0_i32_0 = arith.constant 0 : i32
    %c0_i32_1 = arith.constant 0 : i32
    return %c0_i32, %c0_i32_0 : i32, i32
  }
  func.func @transform_3(%arg0: i32) -> (i32, i32) {
    %c0_i32 = arith.constant 0 : i32
    %c0_i32_0 = arith.constant 0 : i32
    return %arg0, %c0_i32 : i32, i32
  }
  func.func @transform_4(%arg0: i32) -> (i32, i32) {
    %c0_i32 = arith.constant 0 : i32
    %c0_i32_0 = arith.constant 0 : i32
    return %arg0, %c0_i32 : i32, i32
  }
}

module attributes {stable_mosaic.version = 14 : i64} {
  func.func @_tc2_body(%arg0: i32, %arg1: memref<2x1280x128xf32, #tpu.memory_space<vmem>>, %arg2: memref<32x1280xf32, #tpu.memory_space<vmem>>, %arg3: memref<1280x128xf32, #tpu.memory_space<vmem>>, %arg4: memref<1x128xf32, #tpu.memory_space<vmem>>, %arg5: memref<128x128xf32, #tpu.memory_space<vmem>>, %arg6: memref<128x128xf32, #tpu.memory_space<vmem>>, %arg7: memref<1280x128xf32, #tpu.memory_space<vmem>>, %arg8: memref<1280x128xf32, #tpu.memory_space<vmem>>, %arg9: memref<1280x1xf32, #tpu.memory_space<vmem>>) attributes {dimension_semantics = [#tpu.dimension_semantics<arbitrary>], iteration_bounds = array<i64: 8>, scalar_prefetch = 0 : i64, scratch_operands = 0 : i64, tpu.core_type = #tpu.core_type<tc>, window_params = [{transform_indices = @transform_0, window_bounds = array<i64: 2, 1280, 128>}, {transform_indices = @transform_1, window_bounds = array<i64: 32, 1280>}, {transform_indices = @transform_2, window_bounds = array<i64: 1280, 128>}, {pipeline_mode = #tpu.pipeline_mode<synchronous>, transform_indices = @transform_3, window_bounds = array<i64: 1, 128>}, {pipeline_mode = #tpu.pipeline_mode<synchronous>, transform_indices = @transform_4, window_bounds = array<i64: 128, 128>}, {pipeline_mode = #tpu.pipeline_mode<synchronous>, transform_indices = @transform_5, window_bounds = array<i64: 128, 128>}, {transform_indices = @transform_6, window_bounds = array<i64: 1280, 128>}, {transform_indices = @transform_7, window_bounds = array<i64: 1280, 128>}, {transform_indices = @transform_8, window_bounds = array<i64: 1280, 1>}]} {
    %get3A = arith.constant 0 : index
    %get3A_0 = arith.constant 0 : index
    %get3A_1 = arith.constant 0 : index
    %get3A_2 = vector.load %arg1[%get3A, %get3A_0, %get3A_1] : memref<2x1280x128xf32, #tpu.memory_space<vmem>>, vector<1x1280x128xf32>
    %get3A_3 = vector.shape_cast %get3A_2 : vector<1x1280x128xf32> to vector<1280x128xf32>
    %get3A_4 = arith.constant 1 : index
    %get3A_5 = arith.constant 0 : index
    %get3A_6 = arith.constant 0 : index
    %get3A_7 = vector.load %arg1[%get3A_4, %get3A_5, %get3A_6] : memref<2x1280x128xf32, #tpu.memory_space<vmem>>, vector<1x1280x128xf32>
    %get3A_8 = vector.shape_cast %get3A_7 : vector<1x1280x128xf32> to vector<1280x128xf32>
    %add3A = arith.addf %get3A_3, %get3A_8 : vector<1280x128xf32>
    %get3A_9 = arith.constant 0 : index
    %get3A_10 = arith.constant 0 : index
    %get3A_11 = vector.load %arg2[%get3A_9, %get3A_10] : memref<32x1280xf32, #tpu.memory_space<vmem>>, vector<32x1280xf32>
    %reduce_sum3A = arith.constant dense<0.000000e+00> : vector<1280xf32>
    %reduce_sum3A_12 = vector.multi_reduction <add>, %get3A_11, %reduce_sum3A [0] : vector<32x1280xf32> to vector<1280xf32>
    %broadcast_in_dim3A = vector.shape_cast %reduce_sum3A_12 : vector<1280xf32> to vector<1280x1xf32>
    %max3A = arith.constant 1.000000e+00 : f32
    %max3A_13 = vector.broadcast %max3A : f32 to vector<1280x1xf32>
    %max3A_14 = arith.maximumf %broadcast_in_dim3A, %max3A_13 : vector<1280x1xf32>
    %div3A = arith.constant 1.000000e+00 : f32
    %div3A_15 = vector.broadcast %div3A : f32 to vector<1280x1xf32>
    %div3A_16 = arith.divf %div3A_15, %max3A_14 : vector<1280x1xf32>
    %mul3A = vector.broadcast %div3A_16 : vector<1280x1xf32> to vector<1280x128xf32>
    %mul3A_17 = arith.mulf %add3A, %mul3A : vector<1280x128xf32>
    %get3A_18 = arith.constant 0 : index
    %get3A_19 = arith.constant 0 : index
    %get3A_20 = vector.load %arg3[%get3A_18, %get3A_19] : memref<1280x128xf32, #tpu.memory_space<vmem>>, vector<1280x128xf32>
    %add3A_21 = arith.addf %mul3A_17, %get3A_20 : vector<1280x128xf32>
    %get3A_22 = arith.constant 0 : index
    %get3A_23 = arith.constant 0 : index
    %get3A_24 = vector.load %arg4[%get3A_22, %get3A_23] : memref<1x128xf32, #tpu.memory_space<vmem>>, vector<1x128xf32>
    %add3A_25 = vector.broadcast %get3A_24 : vector<1x128xf32> to vector<1280x128xf32>
    %add3A_26 = arith.addf %add3A_21, %add3A_25 : vector<1280x128xf32>
    %max3A_27 = arith.constant 0.000000e+00 : f32
    %max3A_28 = vector.broadcast %max3A_27 : f32 to vector<1280x128xf32>
    %max3A_29 = arith.maximumf %add3A_26, %max3A_28 : vector<1280x128xf32>
    %get3A_30 = arith.constant 0 : index
    %get3A_31 = arith.constant 0 : index
    %get3A_32 = vector.load %arg5[%get3A_30, %get3A_31] : memref<128x128xf32, #tpu.memory_space<vmem>>, vector<128x128xf32>
    %dot_general3A = arith.constant dense<0.000000e+00> : vector<1280x128xf32>
    %dot_general3A_33 = tpu.matmul %max3A_29, %get3A_32, %dot_general3A {dimension_numbers = #tpu.dot_dimension_numbers<[1], [0], [0], [1], [0, 0, 1, 1], [], []>, transpose_lhs_hint = false} : vector<1280x128xf32>, vector<128x128xf32>, vector<1280x128xf32> -> vector<1280x128xf32>
    %swap3A = arith.constant 0 : index
    %swap3A_34 = arith.constant 0 : index
    %swap3A_35 = vector.load %arg7[%swap3A, %swap3A_34] : memref<1280x128xf32, #tpu.memory_space<vmem>>, vector<1280x128xf32>
    tpu.vector_store %arg7[%swap3A, %swap3A_34], %dot_general3A_33 {strides = array<i32>} : memref<1280x128xf32, #tpu.memory_space<vmem>>, vector<1280x128xf32>,
    %get3A_36 = arith.constant 0 : index
    %get3A_37 = arith.constant 0 : index
    %get3A_38 = vector.load %arg6[%get3A_36, %get3A_37] : memref<128x128xf32, #tpu.memory_space<vmem>>, vector<128x128xf32>
    %dot_general3A_39 = arith.constant dense<0.000000e+00> : vector<1280x128xf32>
    %dot_general3A_40 = tpu.matmul %max3A_29, %get3A_38, %dot_general3A_39 {dimension_numbers = #tpu.dot_dimension_numbers<[1], [0], [0], [1], [0, 0, 1, 1], [], []>, transpose_lhs_hint = false} : vector<1280x128xf32>, vector<128x128xf32>, vector<1280x128xf32> -> vector<1280x128xf32>
    %swap3A_41 = arith.constant 0 : index
    %swap3A_42 = arith.constant 0 : index
    %swap3A_43 = vector.load %arg8[%swap3A_41, %swap3A_42] : memref<1280x128xf32, #tpu.memory_space<vmem>>, vector<1280x128xf32>
    tpu.vector_store %arg8[%swap3A_41, %swap3A_42], %dot_general3A_40 {strides = array<i32>} : memref<1280x128xf32, #tpu.memory_space<vmem>>, vector<1280x128xf32>,
    %swap3A_44 = arith.constant 0 : index
    %swap3A_45 = arith.constant 0 : index
    %swap3A_46 = vector.load %arg9[%swap3A_44, %swap3A_45] : memref<1280x1xf32, #tpu.memory_space<vmem>>, vector<1280x1xf32>
    tpu.vector_store %arg9[%swap3A_44, %swap3A_45], %div3A_16 {strides = array<i32>} : memref<1280x1xf32, #tpu.memory_space<vmem>>, vector<1280x1xf32>,
    return
  }
  func.func @transform_0(%arg0: i32) -> (i32, i32, i32) {
    %c0_i32 = arith.constant 0 : i32
    %c0_i32_0 = arith.constant 0 : i32
    %c0_i32_1 = arith.constant 0 : i32
    return %c0_i32, %arg0, %c0_i32_0 : i32, i32, i32
  }
  func.func @transform_1(%arg0: i32) -> (i32, i32) {
    %c0_i32 = arith.constant 0 : i32
    %c0_i32_0 = arith.constant 0 : i32
    return %c0_i32, %arg0 : i32, i32
  }
  func.func @transform_2(%arg0: i32) -> (i32, i32) {
    %c0_i32 = arith.constant 0 : i32
    %c0_i32_0 = arith.constant 0 : i32
    return %arg0, %c0_i32 : i32, i32
  }
  func.func @transform_3(%arg0: i32) -> (i32, i32) {
    %c0_i32 = arith.constant 0 : i32
    %c0_i32_0 = arith.constant 0 : i32
    %c0_i32_1 = arith.constant 0 : i32
    return %c0_i32, %c0_i32_0 : i32, i32
  }
  func.func @transform_4(%arg0: i32) -> (i32, i32) {
    %c0_i32 = arith.constant 0 : i32
    %c0_i32_0 = arith.constant 0 : i32
    %c0_i32_1 = arith.constant 0 : i32
    return %c0_i32, %c0_i32_0 : i32, i32
  }
  func.func @transform_5(%arg0: i32) -> (i32, i32) {
    %c0_i32 = arith.constant 0 : i32
    %c0_i32_0 = arith.constant 0 : i32
    %c0_i32_1 = arith.constant 0 : i32
    return %c0_i32, %c0_i32_0 : i32, i32
  }
  func.func @transform_6(%arg0: i32) -> (i32, i32) {
    %c0_i32 = arith.constant 0 : i32
    %c0_i32_0 = arith.constant 0 : i32
    return %arg0, %c0_i32 : i32, i32
  }
  func.func @transform_7(%arg0: i32) -> (i32, i32) {
    %c0_i32 = arith.constant 0 : i32
    %c0_i32_0 = arith.constant 0 : i32
    return %arg0, %c0_i32 : i32, i32
  }
  func.func @transform_8(%arg0: i32) -> (i32, i32) {
    %c0_i32 = arith.constant 0 : i32
    %c0_i32_0 = arith.constant 0 : i32
    return %arg0, %c0_i32 : i32, i32
  }
}

module attributes {stable_mosaic.version = 14 : i64} {
  func.func @_tc3_body(%arg0: i32, %arg1: memref<2x1280x128xf32, #tpu.memory_space<vmem>>, %arg2: memref<1280x1xf32, #tpu.memory_space<vmem>>, %arg3: memref<1280x128xf32, #tpu.memory_space<vmem>>, %arg4: memref<1x128xf32, #tpu.memory_space<vmem>>, %arg5: memref<128x1xf32, #tpu.memory_space<vmem>>, %arg6: memref<1x1xf32, #tpu.memory_space<vmem>>, %arg7: memref<1280x1xf32, #tpu.memory_space<vmem>>) attributes {dimension_semantics = [#tpu.dimension_semantics<arbitrary>], iteration_bounds = array<i64: 8>, scalar_prefetch = 0 : i64, scratch_operands = 0 : i64, tpu.core_type = #tpu.core_type<tc>, window_params = [{transform_indices = @transform_0, window_bounds = array<i64: 2, 1280, 128>}, {transform_indices = @transform_1, window_bounds = array<i64: 1280, 1>}, {transform_indices = @transform_2, window_bounds = array<i64: 1280, 128>}, {pipeline_mode = #tpu.pipeline_mode<synchronous>, transform_indices = @transform_3, window_bounds = array<i64: 1, 128>}, {pipeline_mode = #tpu.pipeline_mode<synchronous>, transform_indices = @transform_4, window_bounds = array<i64: 128, 1>}, {pipeline_mode = #tpu.pipeline_mode<synchronous>, transform_indices = @transform_5, window_bounds = array<i64: 1, 1>}, {transform_indices = @transform_6, window_bounds = array<i64: 1280, 1>}]} {
    %get3A = arith.constant 0 : index
    %get3A_0 = arith.constant 0 : index
    %get3A_1 = arith.constant 0 : index
    %get3A_2 = vector.load %arg1[%get3A, %get3A_0, %get3A_1] : memref<2x1280x128xf32, #tpu.memory_space<vmem>>, vector<1x1280x128xf32>
    %get3A_3 = vector.shape_cast %get3A_2 : vector<1x1280x128xf32> to vector<1280x128xf32>
    %get3A_4 = arith.constant 1 : index
    %get3A_5 = arith.constant 0 : index
    %get3A_6 = arith.constant 0 : index
    %get3A_7 = vector.load %arg1[%get3A_4, %get3A_5, %get3A_6] : memref<2x1280x128xf32, #tpu.memory_space<vmem>>, vector<1x1280x128xf32>
    %get3A_8 = vector.shape_cast %get3A_7 : vector<1x1280x128xf32> to vector<1280x128xf32>
    %add3A = arith.addf %get3A_3, %get3A_8 : vector<1280x128xf32>
    %get3A_9 = arith.constant 0 : index
    %get3A_10 = arith.constant 0 : index
    %get3A_11 = vector.load %arg2[%get3A_9, %get3A_10] : memref<1280x1xf32, #tpu.memory_space<vmem>>, vector<1280x1xf32>
    %mul3A = vector.broadcast %get3A_11 : vector<1280x1xf32> to vector<1280x128xf32>
    %mul3A_12 = arith.mulf %add3A, %mul3A : vector<1280x128xf32>
    %get3A_13 = arith.constant 0 : index
    %get3A_14 = arith.constant 0 : index
    %get3A_15 = vector.load %arg3[%get3A_13, %get3A_14] : memref<1280x128xf32, #tpu.memory_space<vmem>>, vector<1280x128xf32>
    %add3A_16 = arith.addf %mul3A_12, %get3A_15 : vector<1280x128xf32>
    %get3A_17 = arith.constant 0 : index
    %get3A_18 = arith.constant 0 : index
    %get3A_19 = vector.load %arg4[%get3A_17, %get3A_18] : memref<1x128xf32, #tpu.memory_space<vmem>>, vector<1x128xf32>
    %add3A_20 = vector.broadcast %get3A_19 : vector<1x128xf32> to vector<1280x128xf32>
    %add3A_21 = arith.addf %add3A_16, %add3A_20 : vector<1280x128xf32>
    %max3A = arith.constant 0.000000e+00 : f32
    %max3A_22 = vector.broadcast %max3A : f32 to vector<1280x128xf32>
    %max3A_23 = arith.maximumf %add3A_21, %max3A_22 : vector<1280x128xf32>
    %get3A_24 = arith.constant 0 : index
    %get3A_25 = arith.constant 0 : index
    %get3A_26 = vector.load %arg5[%get3A_24, %get3A_25] : memref<128x1xf32, #tpu.memory_space<vmem>>, vector<128x1xf32>
    %dot_general3A = arith.constant dense<0.000000e+00> : vector<1280x1xf32>
    %dot_general3A_27 = tpu.matmul %max3A_23, %get3A_26, %dot_general3A {dimension_numbers = #tpu.dot_dimension_numbers<[1], [0], [0], [1], [0, 0, 1, 1], [], []>, transpose_lhs_hint = false} : vector<1280x128xf32>, vector<128x1xf32>, vector<1280x1xf32> -> vector<1280x1xf32>
    %get3A_28 = arith.constant 0 : index
    %get3A_29 = arith.constant 0 : index
    %get3A_30 = vector.load %arg6[%get3A_28, %get3A_29] : memref<1x1xf32, #tpu.memory_space<vmem>>, vector<1x1xf32>
    %add3A_31 = vector.broadcast %get3A_30 : vector<1x1xf32> to vector<1280x1xf32>
    %add3A_32 = arith.addf %dot_general3A_27, %add3A_31 : vector<1280x1xf32>
    %swap3A = arith.constant 0 : index
    %swap3A_33 = arith.constant 0 : index
    %swap3A_34 = vector.load %arg7[%swap3A, %swap3A_33] : memref<1280x1xf32, #tpu.memory_space<vmem>>, vector<1280x1xf32>
    tpu.vector_store %arg7[%swap3A, %swap3A_33], %add3A_32 {strides = array<i32>} : memref<1280x1xf32, #tpu.memory_space<vmem>>, vector<1280x1xf32>,
    return
  }
  func.func @transform_0(%arg0: i32) -> (i32, i32, i32) {
    %c0_i32 = arith.constant 0 : i32
    %c0_i32_0 = arith.constant 0 : i32
    %c0_i32_1 = arith.constant 0 : i32
    return %c0_i32, %arg0, %c0_i32_0 : i32, i32, i32
  }
  func.func @transform_1(%arg0: i32) -> (i32, i32) {
    %c0_i32 = arith.constant 0 : i32
    %c0_i32_0 = arith.constant 0 : i32
    return %arg0, %c0_i32 : i32, i32
  }
  func.func @transform_2(%arg0: i32) -> (i32, i32) {
    %c0_i32 = arith.constant 0 : i32
    %c0_i32_0 = arith.constant 0 : i32
    return %arg0, %c0_i32 : i32, i32
  }
  func.func @transform_3(%arg0: i32) -> (i32, i32) {
    %c0_i32 = arith.constant 0 : i32
    %c0_i32_0 = arith.constant 0 : i32
    %c0_i32_1 = arith.constant 0 : i32
    return %c0_i32, %c0_i32_0 : i32, i32
  }
  func.func @transform_4(%arg0: i32) -> (i32, i32) {
    %c0_i32 = arith.constant 0 : i32
    %c0_i32_0 = arith.constant 0 : i32
    %c0_i32_1 = arith.constant 0 : i32
    return %c0_i32, %c0_i32_0 : i32, i32
  }
  func.func @transform_5(%arg0: i32) -> (i32, i32) {
    %c0_i32 = arith.constant 0 : i32
    %c0_i32_0 = arith.constant 0 : i32
    %c0_i32_1 = arith.constant 0 : i32
    return %c0_i32, %c0_i32_0 : i32, i32
  }
  func.func @transform_6(%arg0: i32) -> (i32, i32) {
    %c0_i32 = arith.constant 0 : i32
    %c0_i32_0 = arith.constant 0 : i32
    return %arg0, %c0_i32 : i32, i32
  }
}

</mosaic_0001>

<sc_bundles>
// kernel: kernel.10.cloned.1.call-start
scs
__scs_entry_jumppad:
0x0: {  	(pc) =	sbr.rel $0x88, $3  }
0x1: {  	(tag) =	ssettag $0x0;
	lr =	simm.s32 $0x1  }
0x2: {  	[smem:$0x3F97] =	sst lr;
	_ =	strace $0xD0000000  }
0x3: {  	_ = 	snop  }
0x4: {  	_ = 	snop  }
0x5: {  	_ = 	snop  }
0x6: {  	_ = 	snop  }
0x7: {  	_ = 	snop  }
__scs_overlays_trampoline_lowered:
0x8: {  	[smem:$0x3FA6] =	sst s0  }
0x9: {  	[smem:$0x3FA7] =	sst s1  }
0xa: {  	[smem:$0x3FA8] =	sst s2  }
0xb: {  	[smem:$0x3FA9] =	sst s3  }
0xc: {  	[smem:$0x3FAA] =	sst s4  }
0xd: {  	[smem:$0x3FAB] =	sst s5  }
0xe: {  	[smem:$0x3FAC] =	sst s6  }
0xf: {  	[smem:$0x3FAD] =	sst s7  }
0x10: {  	[smem:$0x3FAE] =	sst s8  }
0x11: {  	[smem:$0x3FAF] =	sst s9;
	s0 =	simm.s32 @!p0 $0x0  }
0x12: {  	s1 =	sld [smem:$0x3F95];
	s0 =	simm.s32 @p0 $0x1  }
0x13: {  	[smem:$0x3FB0] =	sst s0;
	s0 =	simm.s32 @!p1 $0x0  }
0x14: {  	s2 =	sld [smem:$0x3F94];
	s0 =	simm.s32 @p1 $0x1  }
0x15: {  	[smem:$0x3FB1] =	sst s0;
	s0 =	simm.s32 @!p2 $0x0  }
0x16: {  	s3 =	sld [smem:$0x3FDB];
	s0 =	simm.s32 @p2 $0x1  }
0x17: {  	s4 =	simm.s32 $0x1BF5;
	[smem:$0x3FB3] =	sst s0  }
0x18: {  	s0 =	sld [smem:$0x3F96];
	_ =	swait.ge [sflag:s4], $0x0  }
0x19: {  	s7 =	sld [smem:$0x3F97]  }
0x1a: {  	s8 =	sadd.s32 $0xFFFFE003, lr  }
0x1b: {  	s9 =	sadd.s32 $0xFFFFFEF7, lr;
	s5 =	simm.s32 $0xFFFFFFFF;
	p2 =	slt.u32 s8, $0xFFFFF086  }
0x1c: {  	p1 =	slt.u32 s9, $0xF7A;
	s5 =	simm.s32 @!p2 $0x0  }
0x1d: {  	s5 =	simm.s32 @p1 $0x1;
	p0 =	seq.s32 s7, s2  }
0x1e: {  	s7 =	smul.u32 @!p0 $0xF7A, s2;
	p2 =	seq.s32 @!p0 s5, $0x0  }
0x1f: {  	s9 =	smul.u32 $0xF7A, s1;
	s8 =	simm.s32 @!p0 $0x1BF5;
	p2 =	por !p2, p0  }
0x20: {  	[sflag:s8] =	ssyncset.s32 @!p0 $0xFFFFF086;
	s6 =	sadd.s32 @!p0 s3, s7;
	s7 =	simm.s32 @!p0 $0x108  }
0x21: {  	s3 =	sadd.s32 s3, s9;
	s6 =	sadd.s32 @!p0 $0x88, s6;
	s7 =	simm.s32 @p2 $0x1082  }
0x22: {  	[simem:s7], [sflag:s8] =	dma.local @!p0 [hbm:s6], $0xF7A  }
0x23: {  	s9 =	sor.u32 $0xD0000000, s2;
	s6 =	simm.s32 $0x108;
	_ =	swait.ge @!p0 [sflag:s8], $0x0  }
0x24: {  	s3 =	sadd.s32 $0x88, s3;
	s6 =	simm.s32 @!p1 $0x1082;
	[sflag:s4] =	ssyncset.s32 $0xFFFFF086  }
0x25: {  	[simem:s6], [sflag:s4] =	dma.local [hbm:s3], $0xF7A  }
0x26: {  	[smem:$0x3F97] =	sst s1;
	(tag) =	ssettag s2;
	_ =	strace s9  }
0x27: {  	s1 =	sld [smem:$0x3FA7]  }
0x28: {  	s2 =	sld [smem:$0x3FA8]  }
0x29: {  	s4 =	sld [smem:$0x3FAA]  }
0x2a: {  	p0 =	seq.s32 s5, $0x0;
	s5 =	sld [smem:$0x3FAB]  }
0x2b: {  	s6 =	sld [smem:$0x3FAC]  }
0x2c: {  	s7 =	sld [smem:$0x3FAD]  }
0x2d: {  	s3 =	simm.s32 $0x108;
	s8 =	sld [smem:$0x3FAE]  }
0x2e: {  	s3 =	simm.s32 @!p0 $0x1082;
	s9 =	sld [smem:$0x3FAF]  }
0x2f: {  	lr =	sadd.s32 s0, s3;
	s0 =	sld [smem:$0x3FA6]  }
0x30: {  	s3 =	sld [smem:$0x3FA9]  }
0x31: {  	[smem:$0x3FB2] =	sst s10  }
0x32: {  	s10 =	sld [smem:$0x3FB0];
	_ =	sdelay $0x3  }
0x33: {  	p0 =	seq.s32 s10, $0x1;
	s10 =	sld [smem:$0x3FB2];
	_ =	sdelay $0x3  }
0x34: {  	[smem:$0x3FB2] =	sst s10  }
0x35: {  	s10 =	sld [smem:$0x3FB1];
	_ =	sdelay $0x3  }
0x36: {  	p1 =	seq.s32 s10, $0x1;
	s10 =	sld [smem:$0x3FB2];
	_ =	sdelay $0x3  }
0x37: {  	[smem:$0x3FB2] =	sst s10  }
0x38: {  	s10 =	sld [smem:$0x3FB3]  }
0x39: {  	_ = 	snop;
	(pc) =	sbr.ind lr, $3  }
0x3a: {  	_ = 	snop  }
0x3b: {  	_ = 	snop  }
0x3c: {  	p2 =	seq.s32 s10, $0x1;
	s10 =	sld [smem:$0x3FB2]  }
0x3d: {  	_ =	shalt  }
0x3e: {  	_ =	shalt  }
0x3f: {  	_ =	shalt  }
0x40: {  	_ =	shalt  }
0x41: {  	_ =	shalt  }
0x42: {  	_ =	shalt  }
0x43: {  	_ =	shalt  }
0x44: {  	_ =	shalt  }
0x45: {  	_ =	shalt  }
0x46: {  	_ =	shalt  }
0x47: {  	_ =	shalt  }
0x48: {  	_ =	shalt  }
0x49: {  	_ =	shalt  }
0x4a: {  	_ =	shalt  }
0x4b: {  	_ =	shalt  }
0x4c: {  	_ =	shalt  }
0x4d: {  	_ =	shalt  }
0x4e: {  	_ =	shalt  }
0x4f: {  	_ =	shalt  }
0x50: {  	_ =	shalt  }
0x51: {  	_ =	shalt  }
0x52: {  	_ =	shalt  }
0x53: {  	_ =	shalt  }
0x54: {  	_ =	shalt  }
0x55: {  	_ =	shalt  }
0x56: {  	_ =	shalt  }
0x57: {  	_ =	shalt  }
0x58: {  	_ =	shalt  }
0x59: {  	_ =	shalt  }
0x5a: {  	_ =	shalt  }
0x5b: {  	_ =	shalt  }
0x5c: {  	_ =	shalt  }
0x5d: {  	_ =	shalt  }
0x5e: {  	_ =	shalt  }
0x5f: {  	_ =	shalt  }
0x60: {  	_ =	shalt  }
0x61: {  	_ =	shalt  }
0x62: {  	_ =	shalt  }
0x63: {  	_ =	shalt  }
0x64: {  	_ =	shalt  }
0x65: {  	_ =	shalt  }
0x66: {  	_ =	shalt  }
0x67: {  	_ =	shalt  }
0x68: {  	_ =	shalt  }
0x69: {  	_ =	shalt  }
0x6a: {  	_ =	shalt  }
0x6b: {  	_ =	shalt  }
0x6c: {  	_ =	shalt  }
0x6d: {  	_ =	shalt  }
0x6e: {  	_ =	shalt  }
0x6f: {  	_ =	shalt  }
0x70: {  	_ =	shalt  }
0x71: {  	_ =	shalt  }
0x72: {  	_ =	shalt  }
0x73: {  	_ =	shalt  }
0x74: {  	_ =	shalt  }
0x75: {  	_ =	shalt  }
0x76: {  	_ =	shalt  }
0x77: {  	_ =	shalt  }
0x78: {  	_ =	shalt  }
0x79: {  	_ =	shalt  }
0x7a: {  	_ =	shalt  }
0x7b: {  	_ =	shalt  }
0x7c: {  	_ =	shalt  }
0x7d: {  	_ =	shalt  }
0x7e: {  	_ =	shalt  }
0x7f: {  	_ =	shalt  }
0x80: {  	_ =	shalt  }
0x81: {  	_ =	shalt  }
0x82: {  	_ =	shalt  }
0x83: {  	_ =	shalt  }
0x84: {  	_ =	shalt  }
0x85: {  	_ =	shalt  }
0x86: {  	_ =	shalt  }
0x87: {  	_ =	shalt  }
.Lfunc_end0:
.L_simem_size_0:
called_computation.1_lowered:
.L_overlay_start_0:
0x88: {  	s2 =	sld [smem:$0x3FD9]  }
0x89: {  	s3 =	sld [smem:$0x3FFE];
	_ =	sdelay $0x1  }
0x8a: {  	s1 =	srdreg.scid  }
0x8b: {  	s0 =	sand.u32 $0x1, s1  }
0x8c: {  	s16 =	sshll.u32 s0, $0xA;
	s2 =	sadd.s32 s3, s2  }
0x8d: {  	s2 =	sadd.s32 s2, s16  }
0x8e: {  	[smem:$0x3FBE] =	sst s2  }
0x8f: {  	_ = 	snop  }
0x90: {  	(tm) =	ssettm $0x1  }
0x91: {  	s17 =	sld [smem:$0x3FFB];
	_ =	sdelay $0x3  }
0x92: {  	_ =	strace s17  }
0x93: {  	s2 =	sld [smem:$0x3FFC];
	_ =	sdelay $0x3  }
0x94: {  	_ =	strace s2  }
0x95: {  	s2 =	sld [smem:$0x3FFD];
	_ =	sdelay $0x3  }
0x96: {  	_ =	strace s2  }
0x97: {  	_ =	strace $0x8FFFFFFF  }
0x98: {  	s18 =	sld [smem:$0x3FDB];
	_ =	sdelay $0x1  }
0x99: {  	s19 =	simm.s32 $_scs_section_size  }
0x9a: {  	s4 =	simm.s32 $_size__tile_overlayer_lowered;
	s5 =	simm.s32 $_tile_overlayer_lowered  }
0x9b: {  	s22 =	simm.s32 $0x1BFF;
	s21 =	sshll.u32 s5, $0x1;
	s2 =	sadd.s32 s19, s18  }
0x9c: {  	s6 =	simm.s32 $0x0;
	s20 =	sshll.u32 s4, $0x1;
	s4 =	sadd.s32 s21, s2  }
0x9d: {  	[timem:s6], [sflag:s22] =	dma.local [hbm:s4], s20  }
0x9e: {  	_ =	swait.ge [sflag:s22], s20  }
0x9f: {  	s3 =	ssub.s32 $0x0, s20;
	[sflag:s22] =	ssyncset.done $0x0  }
0xa0: {  	[sflag:s22] =	ssyncadd.s32 s3;
	_ =	sdelay $0x1  }
0xa1: {  	s23 =	simm.s32 $0x1B8B  }
0xa2: {  	_ =	swait.ge [sflag:s23], $0x1  }
0xa3: {  	[sflag:s23] =	ssyncset.done $0x0  }
0xa4: {  	s25 =	simm.s32 $0x1B8E;
	s24 =	sld [smem:$0x3FFE];
	[sflag:s23] =	ssyncadd.s32 $0xFFFFFFFF  }
0xa5: {  	s26 =	simm.s32 $execute0_lowered;
	[smem:$0x3FD2] =	sst s25  }
0xa6: {  	s4 =	sshll.u32 s26, $0x1;
	_ =	strace $0x80000049;
	[dreg:$0x1] =	wrdreg $0xFFFFFFFF  }
0xa7: {  	s28 =	simm.s32 $_size_execute0_lowered;
	s2 =	sadd.s32 s2, s4;
	[dreg:$0x0] =	wrdreg $0x0  }
0xa8: {  	s4 =	sshll.u32 s28, $0x1;
	[dreg:$0x2] =	wrdreg s2  }
0xa9: {  	[dreg:$0x3] =	wrdreg s4  }
0xaa: {  	[dreg:$0x4] =	wrdreg $0xC0  }
0xab: {  	_ =	task [dreg:s6], $0x5FFFF  }
0xac: {  	[dreg:$0x1] =	wrdreg $0xFFFFFFFF  }
0xad: {  	[dreg:$0x0] =	wrdreg $0x60  }
0xae: {  	[dreg:$0x2] =	wrdreg s24  }
0xaf: {  	[dreg:$0x3] =	wrdreg $0x0  }
0xb0: {  	[dreg:$0x4] =	wrdreg $0x9  }
0xb1: {  	_ =	task.clear_ibuf [dreg:s6], $0x5FFFF;
	_ =	strace $0x90000049  }
0xb2: {  	s29 =	simm.s32 $0x9;
	_ =	strace $0x8000004B  }
0xb3: {  	_ =	swait.ge [sflag:s29], $0x1  }
0xb4: {  	[sflag:s29] =	ssyncadd.s32 $0xFFFFFFFF  }
0xb5: {  	_ =	strace $0x9000004B  }
0xb6: {  	_ =	sfence  }
0xb7: {  	s30 =	sld [smem:$0x0];
	_ =	sdelay $0x2  }
0xb8: {  	s31 =	sshll.u32 s1, $0xD;
	s1 =	sshrl.u32 s1, $0x2  }
0xb9: {  	s3 =	sand.u32 $0x4000, s31;
	s1 =	sadd.s32 s1, s30  }
0xba: {  	s0 =	sor.u32 s3, s0;
	s1 =	sshll.u32 s1, $0x11  }
0xbb: {  	s0 =	sor.u32 s1, s0  }
0xbc: {  	s0 =	sadd.s32 $0x8F2B, s0  }
0xbd: {  	[sflag:s0] =	ssyncadd.remote.s32 $0x1  }
0xbe: {  	_ =	sfence.sel $0xFFFF  }
0xbf: {  	[dreg:$0x0] =	wrdreg $0xFFFFFFFF;
	(pc) =	sbr.abs _section_cstart, $3  }
0xc0: {  	[dreg:$0x1] =	wrdreg $0xFFFFFFFF  }
0xc1: {  	_ =	task.clear_ibuf [dreg:s6], $0x2FFFF;
	_ =	strace $0x9FFFFFFF  }
0xc2: {  	(tm) =	ssettm $0x7FFFFFFF  }
0xc3: {  	_ =	shalt  }
tec
execute0_lowered:
.L_overlay_start_1:
0x0: {  	(tag) =	ssettag $0x1  }
0x1: {  	s0 =	rddreg [dreg:$0x0];
	s1 =	srdreg.scid  }
0x2: {  	s10 =	stileid.u32;
	s2 =	rddreg [dreg:$0x1];
	s3 =	simm.s32 $0x0  }
0x3: {  	s13 =	simm.s32 $0x18800;
	s14 =	simm.s32 $0x2;
	s15 =	simm.s32 $0x14000  }
0x4: {  	s16 =	simm.s32 $0x14400;
	s17 =	simm.s32 $0x80;
	s18 =	simm.s32 $0x14800  }
0x5: {  	s19 =	simm.s32 $0x1;
	s28 =	simm.s32 $0x14100;
	s29 =	simm.s32 $0x14500  }
0x6: {  	s30 =	simm.s32 $0x14180;
	s31 =	simm.s32 $0x14580;
	s6 =	smul.u32 $0x50000, s10  }
0x7: {  	s1 =	sand.u32 $0x1, s1;
	s4 =	sshll.u32 s10, $0x1;
	s9 =	smul.u32 $0x280, s10  }
0x8: {  	[smem:$0x7FF] =	sst s3;
	s10 =	smul.u32 $0x2800, s10;
	s4 =	sor.u32 s1, s4  }
0x9: {  	_ =	strace $0x8000004A;
	s20 =	smul.u32 $0x28000, s1;
	s1 =	ssub.s32 $0x2, s1  }
0xa: {  	s5 =	smul.u32 $0x500, s4;
	s4 =	sadd.s32 $0x15E00, s0;
	s8 =	sshrl.u32 s1, $0x1  }
0xb: {  	s6 =	sshrl.u32 s6, $0x2;
	s21 =	sadd.s32 $0x80, s9;
	s23 =	sadd.s32 $0x100, s9  }
0xc: {  	s12 =	sadd.s32 $0x180, s9;
	s9 =	sadd.s32 $0x200, s9;
	s1 =	ssub.s32 s1, s8  }
0xd: {  	s22 =	sshll.u32 s21, $0x7;
	s8 =	sshll.u32 s21, $0x4;
	s11 =	sshll.u32 s23, $0x7  }
0xe: {  	s24 =	sshll.u32 s12, $0x7;
	s25 =	sshll.u32 s9, $0x7;
	s12 =	sshll.u32 s12, $0x4  }
0xf: {  	s9 =	sshll.u32 s9, $0x4;
	s21 =	simm.s32 $0x0;
	s7 =	sadd.s32 s5, s0  }
0x10: {  	s0 =	sadd.s32 s20, s0;
	s5 =	sadd.s32 s6, s2;
	s1 =	smax.u32 s1, $0x1  }
0x11: {  	s11 =	sadd.s32 s11, s2;
	s20 =	simm.s32 $0x14780;
	[dreg:$0x3] =	wrdreg s1  }
0x12: {  	s6 =	sadd.s32 $0x1E00, s7;
	s1 =	sadd.s32 s22, s2;
	[dreg:$0x5] =	wrdreg s11  }
0x13: {  	s7 =	sadd.s32 $0xBE00, s7;
	s11 =	sadd.s32 s24, s2;
	[dreg:$0x4] =	wrdreg s1  }
0x14: {  	s0 =	sadd.s32 $0x3DE00, s0;
	[dreg:$0x6] =	wrdreg s11;
	s11 =	sadd.s32 s25, s2  }
0x15: {  	s1 =	sshll.u32 s23, $0x4;
	s10 =	sadd.s32 s10, s0;
	[dreg:$0x7] =	wrdreg s11  }
0x16: {  	s8 =	sadd.s32 s8, s0;
	s26 =	sadd.s32 s12, s0;
	[dreg:$0x8] =	wrdreg s10  }
0x17: {  	s25 =	simm.s32 $0x14080;
	s12 =	simm.s32 $0x14380;
	[dreg:$0x9] =	wrdreg s8  }
0x18: {  	s1 =	sadd.s32 s1, s0;
	[dreg:$0xb] =	wrdreg s26;
	s0 =	sadd.s32 s9, s0  }
0x19: {  	s26 =	simm.s32 $0x14480;
	s8 =	simm.s32 $0x14280;
	s9 =	simm.s32 $0x14680  }
0x1a: {  	s10 =	simm.s32 $0x14300;
	s11 =	simm.s32 $0x14700;
	[dreg:$0xa] =	wrdreg s1  }
0x1b: {  	v0 =	vimm.f32 $0.0e+00;
	[dreg:$0xc] =	wrdreg s0;
	s1 =	simm.s32 $0x14200;
	s0 =	simm.s32 $0x14600  }
.LBB2_1:
0x1c: {  	s22 =	simm.s32 $0x0;
	s23 =	simm.s32 $0x200  }
.LBB2_2:
0x1d: {  	p0 =	sne.s32 s23, $0x1E00;
	[tilespmem:s22+$0x18870] =	vst v0  }
0x1e: {  	[tilespmem:s22+$0x18800] =	vst v0  }
0x1f: {  	[tilespmem:s22+$0x18810] =	vst v0  }
.Ltmp0:
0x20: {  	[tilespmem:s22+$0x18820] =	vst v0;
	(pc) =	sbr.rel @p0 .LBB2_2-.Ltmp0, $4  }
0x21: {  	[tilespmem:s22+$0x18830] =	vst v0  }
0x22: {  	[tilespmem:s22+$0x18840] =	vst v0  }
0x23: {  	[tilespmem:s22+$0x18850] =	vst v0  }
0x24: {  	[tilespmem:s22+$0x18860] =	vst v0;
	s22 =	sshra.s32 s23, $0x2;
	s23 =	sadd.s32 $0x200, s23  }
0x25: {  	[tilespmem:s22+$0x18870] =	vst v0  }
0x26: {  	[tilespmem:s22+$0x18800] =	vst v0  }
0x27: {  	[tilespmem:s22+$0x18810] =	vst v0  }
0x28: {  	[tilespmem:s22+$0x18820] =	vst v0  }
0x29: {  	[tilespmem:s22+$0x18830] =	vst v0  }
0x2a: {  	[tilespmem:s22+$0x18840] =	vst v0  }
0x2b: {  	[tilespmem:s22+$0x18850] =	vst v0  }
0x2c: {  	[dreg:$0xd] =	wrdreg s21;
	[tilespmem:s22+$0x18860] =	vst v0;
	s24 =	sadd.s32 $0x0, s5  }
0x2d: {  	[spmem:s24] =	stream.linear.scatter [tilespmem:s13], [sflag:$0x2], $0x800, $0x38;
	[tilespmem:$0x19000] =	vst v63  }
0x2e: {  	s22 =	simm.s32 $0x2000;
	_ =	swait.ge [sflag:s14], $0x800  }
.LBB2_4:
0x2f: {  	s23 =	sshra.s32 s22, $0x2;
	[sflag:s14] =	ssyncset.done $0x0;
	p0 =	sne.s32 s22, $0x4E000  }
.Ltmp1:
0x30: {  	s23 =	sadd.s32 s23, s5;
	[sflag:s14] =	ssyncadd.s32 $0xFFFFF800;
	(pc) =	sbr.rel @p0 .LBB2_4-.Ltmp1, $3  }
0x31: {  	[spmem:s23] =	stream.linear.scatter [tilespmem:s13], [sflag:$0x2], $0x800, $0x38;
	[tilespmem:$0x19000] =	vst v63  }
0x32: {  	s22 =	sadd.s32 $0x2000, s22;
	_ =	sdelay $0x1  }
0x33: {  	_ =	swait.ge [sflag:s14], $0x800  }
0x34: {  	[sflag:s14] =	ssyncset.done $0x0  }
0x35: {  	[sflag:s14] =	ssyncadd.s32 $0xFFFFF800  }
0x36: {  	s22 =	sadd.s32 $0x0, s6;
	[bflag:$0x0] =	sbarrier.arrive $0xFFFF  }
0x37: {  	[tilespmem:s15], [sflag:$0x2] =	stream.linear.gather [hbm4b:s22+s3], $0x400, $0x38;
	[tilespmem:$0x19000] =	vst v63  }
0x38: {  	_ =	swait.ge [sflag:s14], $0x400  }
0x39: {  	[sflag:s14] =	ssyncset.done $0x0  }
0x3a: {  	s24 =	sadd.s32 $0x0, s7;
	[sflag:s14] =	ssyncadd.s32 $0xFFFFFC00  }
0x3b: {  	[tilespmem:s16], [sflag:$0x2] =	stream.linear.gather [hbm4b:s24+s3], $0x400, $0x38;
	[tilespmem:$0x19000] =	vst v63  }
0x3c: {  	_ =	swait.ge [sflag:s14], $0x400  }
0x3d: {  	[sflag:s14] =	ssyncset.done $0x0  }
0x3e: {  	[sflag:s14] =	ssyncadd.s32 $0xFFFFFC00  }
0x3f: {  	[tilespmem:s18], [sflag:$0x1] =	stream.indirect.gather [hbm4b:s4+s17], $0x80, s15, s17, $0xb8;
	[tilespmem:$0x19000] =	vst v63  }
0x40: {  	_ =	swait.ge [sflag:s19], $0x4000  }
0x41: {  	[sflag:s19] =	ssyncset.done $0x0  }
0x42: {  	[sflag:s19] =	ssyncadd.s32 $0xFFFFC000  }
0x43: {  	[spmem:s2] =	stream.indirect.scatter.add.f32 [tilespmem:s18], [sflag:$0x2], $0x80, s16, s17, $0xb8;
	[tilespmem:$0x19000] =	vst v63  }
0x44: {  	_ =	swait.ge [sflag:s14], $0x4000  }
0x45: {  	[sflag:s14] =	ssyncset.done $0x0  }
0x46: {  	[sflag:s14] =	ssyncadd.s32 $0xFFFFC000  }
0x47: {  	[tilespmem:s18], [sflag:$0x1] =	stream.indirect.gather [hbm4b:s4+s17], $0x80, s25, s17, $0xb8;
	[tilespmem:$0x19000] =	vst v63  }
0x48: {  	_ =	swait.ge [sflag:s19], $0x4000  }
0x49: {  	[sflag:s19] =	ssyncset.done $0x0  }
0x4a: {  	[sflag:s19] =	ssyncadd.s32 $0xFFFFC000  }
0x4b: {  	[spmem:s2] =	stream.indirect.scatter.add.f32 [tilespmem:s18], [sflag:$0x2], $0x80, s26, s17, $0xb8;
	[tilespmem:$0x19000] =	vst v63  }
0x4c: {  	_ =	swait.ge [sflag:s14], $0x4000  }
0x4d: {  	[sflag:s14] =	ssyncset.done $0x0  }
0x4e: {  	[sflag:s14] =	ssyncadd.s32 $0xFFFFC000  }
0x4f: {  	[tilespmem:s18], [sflag:$0x1] =	stream.indirect.gather [hbm4b:s4+s17], $0x80, s28, s17, $0xb8;
	[tilespmem:$0x19000] =	vst v63  }
0x50: {  	_ =	swait.ge [sflag:s19], $0x4000  }
0x51: {  	[sflag:s19] =	ssyncset.done $0x0  }
0x52: {  	[sflag:s19] =	ssyncadd.s32 $0xFFFFC000  }
0x53: {  	[spmem:s2] =	stream.indirect.scatter.add.f32 [tilespmem:s18], [sflag:$0x2], $0x80, s29, s17, $0xb8;
	[tilespmem:$0x19000] =	vst v63  }
0x54: {  	_ =	swait.ge [sflag:s14], $0x4000  }
0x55: {  	[sflag:s14] =	ssyncset.done $0x0  }
0x56: {  	[sflag:s14] =	ssyncadd.s32 $0xFFFFC000  }
0x57: {  	[tilespmem:s18], [sflag:$0x1] =	stream.indirect.gather [hbm4b:s4+s17], $0x80, s30, s17, $0xb8;
	[tilespmem:$0x19000] =	vst v63  }
0x58: {  	_ =	swait.ge [sflag:s19], $0x4000  }
0x59: {  	[sflag:s19] =	ssyncset.done $0x0  }
0x5a: {  	[sflag:s19] =	ssyncadd.s32 $0xFFFFC000  }
0x5b: {  	[spmem:s2] =	stream.indirect.scatter.add.f32 [tilespmem:s18], [sflag:$0x2], $0x80, s31, s17, $0xb8;
	[tilespmem:$0x19000] =	vst v63  }
0x5c: {  	_ =	swait.ge [sflag:s14], $0x4000  }
0x5d: {  	[sflag:s14] =	ssyncset.done $0x0  }
0x5e: {  	[sflag:s14] =	ssyncadd.s32 $0xFFFFC000  }
0x5f: {  	[tilespmem:s18], [sflag:$0x1] =	stream.indirect.gather [hbm4b:s4+s17], $0x80, s1, s17, $0xb8;
	[tilespmem:$0x19000] =	vst v63  }
0x60: {  	_ =	swait.ge [sflag:s19], $0x4000  }
0x61: {  	[sflag:s19] =	ssyncset.done $0x0  }
0x62: {  	[sflag:s19] =	ssyncadd.s32 $0xFFFFC000  }
0x63: {  	[spmem:s2] =	stream.indirect.scatter.add.f32 [tilespmem:s18], [sflag:$0x2], $0x80, s0, s17, $0xb8;
	[tilespmem:$0x19000] =	vst v63  }
0x64: {  	_ =	swait.ge [sflag:s14], $0x4000  }
0x65: {  	[sflag:s14] =	ssyncset.done $0x0  }
0x66: {  	[sflag:s14] =	ssyncadd.s32 $0xFFFFC000  }
0x67: {  	[tilespmem:s18], [sflag:$0x1] =	stream.indirect.gather [hbm4b:s4+s17], $0x80, s8, s17, $0xb8;
	[tilespmem:$0x19000] =	vst v63  }
0x68: {  	_ =	swait.ge [sflag:s19], $0x4000  }
0x69: {  	[sflag:s19] =	ssyncset.done $0x0  }
0x6a: {  	[sflag:s19] =	ssyncadd.s32 $0xFFFFC000  }
0x6b: {  	[spmem:s2] =	stream.indirect.scatter.add.f32 [tilespmem:s18], [sflag:$0x2], $0x80, s9, s17, $0xb8;
	[tilespmem:$0x19000] =	vst v63  }
0x6c: {  	_ =	swait.ge [sflag:s14], $0x4000  }
0x6d: {  	[sflag:s14] =	ssyncset.done $0x0  }
0x6e: {  	[sflag:s14] =	ssyncadd.s32 $0xFFFFC000  }
0x6f: {  	[tilespmem:s18], [sflag:$0x1] =	stream.indirect.gather [hbm4b:s4+s17], $0x80, s10, s17, $0xb8;
	[tilespmem:$0x19000] =	vst v63  }
0x70: {  	_ =	swait.ge [sflag:s19], $0x4000  }
0x71: {  	[sflag:s19] =	ssyncset.done $0x0  }
0x72: {  	[sflag:s19] =	ssyncadd.s32 $0xFFFFC000  }
0x73: {  	[spmem:s2] =	stream.indirect.scatter.add.f32 [tilespmem:s18], [sflag:$0x2], $0x80, s11, s17, $0xb8;
	[tilespmem:$0x19000] =	vst v63  }
0x74: {  	_ =	swait.ge [sflag:s14], $0x4000  }
0x75: {  	[sflag:s14] =	ssyncset.done $0x0  }
0x76: {  	[sflag:s14] =	ssyncadd.s32 $0xFFFFC000  }
0x77: {  	[tilespmem:s18], [sflag:$0x1] =	stream.indirect.gather [hbm4b:s4+s17], $0x80, s12, s17, $0xb8;
	[tilespmem:$0x19000] =	vst v63  }
0x78: {  	_ =	swait.ge [sflag:s19], $0x4000  }
0x79: {  	[sflag:s19] =	ssyncset.done $0x0  }
0x7a: {  	[sflag:s19] =	ssyncadd.s32 $0xFFFFC000  }
0x7b: {  	[spmem:s2] =	stream.indirect.scatter.add.f32 [tilespmem:s18], [sflag:$0x2], $0x80, s20, s17, $0xb8;
	[tilespmem:$0x19000] =	vst v63  }
0x7c: {  	_ =	swait.ge [sflag:s14], $0x4000  }
0x7d: {  	s23 =	simm.s32 $0x100;
	s22 =	simm.s32 $0x80;
	[sflag:s14] =	ssyncset.done $0x0  }
.LBB2_6:
0x7e: {  	s21 =	sadd.s32 s22, s6  }
0x7f: {  	[sflag:s14] =	ssyncadd.s32 $0xFFFFC000;
	s13 =	smov.u32 s23;
	s24 =	sadd.s32 $0x80, s23  }
0x80: {  	[tilespmem:s15], [sflag:$0x2] =	stream.linear.gather [hbm4b:s21+s3], $0x400, $0x38;
	[tilespmem:$0x19000] =	vst v63  }
0x81: {  	p0 =	sne.s32 s23, $0x480;
	_ =	swait.ge [sflag:s14], $0x400  }
0x82: {  	[sflag:s14] =	ssyncset.done $0x0  }
0x83: {  	s21 =	sadd.s32 s22, s7;
	s22 =	smov.u32 s13;
	[sflag:s14] =	ssyncadd.s32 $0xFFFFFC00  }
0x84: {  	[tilespmem:s16], [sflag:$0x2] =	stream.linear.gather [hbm4b:s21+s3], $0x400, $0x38;
	[tilespmem:$0x19000] =	vst v63  }
0x85: {  	_ =	swait.ge [sflag:s14], $0x400  }
0x86: {  	[sflag:s14] =	ssyncset.done $0x0  }
0x87: {  	[sflag:s14] =	ssyncadd.s32 $0xFFFFFC00  }
0x88: {  	[tilespmem:s18], [sflag:$0x1] =	stream.indirect.gather [hbm4b:s4+s17], $0x80, s15, s17, $0xb8;
	[tilespmem:$0x19000] =	vst v63  }
0x89: {  	_ =	swait.ge [sflag:s19], $0x4000  }
0x8a: {  	[sflag:s19] =	ssyncset.done $0x0  }
0x8b: {  	[sflag:s19] =	ssyncadd.s32 $0xFFFFC000  }
0x8c: {  	[spmem:s2] =	stream.indirect.scatter.add.f32 [tilespmem:s18], [sflag:$0x2], $0x80, s16, s17, $0xb8;
	[tilespmem:$0x19000] =	vst v63  }
0x8d: {  	_ =	swait.ge [sflag:s14], $0x4000  }
0x8e: {  	[sflag:s14] =	ssyncset.done $0x0  }
0x8f: {  	[sflag:s14] =	ssyncadd.s32 $0xFFFFC000  }
0x90: {  	[tilespmem:s18], [sflag:$0x1] =	stream.indirect.gather [hbm4b:s4+s17], $0x80, s25, s17, $0xb8;
	[tilespmem:$0x19000] =	vst v63  }
0x91: {  	_ =	swait.ge [sflag:s19], $0x4000  }
0x92: {  	[sflag:s19] =	ssyncset.done $0x0  }
0x93: {  	[sflag:s19] =	ssyncadd.s32 $0xFFFFC000  }
0x94: {  	[spmem:s2] =	stream.indirect.scatter.add.f32 [tilespmem:s18], [sflag:$0x2], $0x80, s26, s17, $0xb8;
	[tilespmem:$0x19000] =	vst v63  }
0x95: {  	_ =	swait.ge [sflag:s14], $0x4000  }
0x96: {  	[sflag:s14] =	ssyncset.done $0x0  }
0x97: {  	[sflag:s14] =	ssyncadd.s32 $0xFFFFC000  }
0x98: {  	[tilespmem:s18], [sflag:$0x1] =	stream.indirect.gather [hbm4b:s4+s17], $0x80, s28, s17, $0xb8;
	[tilespmem:$0x19000] =	vst v63  }
0x99: {  	_ =	swait.ge [sflag:s19], $0x4000  }
0x9a: {  	[sflag:s19] =	ssyncset.done $0x0  }
0x9b: {  	[sflag:s19] =	ssyncadd.s32 $0xFFFFC000  }
0x9c: {  	[spmem:s2] =	stream.indirect.scatter.add.f32 [tilespmem:s18], [sflag:$0x2], $0x80, s29, s17, $0xb8;
	[tilespmem:$0x19000] =	vst v63  }
0x9d: {  	_ =	swait.ge [sflag:s14], $0x4000  }
0x9e: {  	[sflag:s14] =	ssyncset.done $0x0  }
0x9f: {  	[sflag:s14] =	ssyncadd.s32 $0xFFFFC000  }
0xa0: {  	[tilespmem:s18], [sflag:$0x1] =	stream.indirect.gather [hbm4b:s4+s17], $0x80, s30, s17, $0xb8;
	[tilespmem:$0x19000] =	vst v63  }
0xa1: {  	_ =	swait.ge [sflag:s19], $0x4000  }
0xa2: {  	[sflag:s19] =	ssyncset.done $0x0  }
0xa3: {  	[sflag:s19] =	ssyncadd.s32 $0xFFFFC000  }
0xa4: {  	[spmem:s2] =	stream.indirect.scatter.add.f32 [tilespmem:s18], [sflag:$0x2], $0x80, s31, s17, $0xb8;
	[tilespmem:$0x19000] =	vst v63  }
0xa5: {  	_ =	swait.ge [sflag:s14], $0x4000  }
0xa6: {  	[sflag:s14] =	ssyncset.done $0x0  }
0xa7: {  	[sflag:s14] =	ssyncadd.s32 $0xFFFFC000  }
0xa8: {  	[tilespmem:s18], [sflag:$0x1] =	stream.indirect.gather [hbm4b:s4+s17], $0x80, s1, s17, $0xb8;
	[tilespmem:$0x19000] =	vst v63  }
0xa9: {  	_ =	swait.ge [sflag:s19], $0x4000  }
0xaa: {  	[sflag:s19] =	ssyncset.done $0x0  }
0xab: {  	[sflag:s19] =	ssyncadd.s32 $0xFFFFC000  }
0xac: {  	[spmem:s2] =	stream.indirect.scatter.add.f32 [tilespmem:s18], [sflag:$0x2], $0x80, s0, s17, $0xb8;
	[tilespmem:$0x19000] =	vst v63  }
0xad: {  	_ =	swait.ge [sflag:s14], $0x4000  }
0xae: {  	[sflag:s14] =	ssyncset.done $0x0  }
0xaf: {  	[sflag:s14] =	ssyncadd.s32 $0xFFFFC000  }
0xb0: {  	[tilespmem:s18], [sflag:$0x1] =	stream.indirect.gather [hbm4b:s4+s17], $0x80, s8, s17, $0xb8;
	[tilespmem:$0x19000] =	vst v63  }
0xb1: {  	_ =	swait.ge [sflag:s19], $0x4000  }
0xb2: {  	[sflag:s19] =	ssyncset.done $0x0  }
0xb3: {  	[sflag:s19] =	ssyncadd.s32 $0xFFFFC000  }
0xb4: {  	[spmem:s2] =	stream.indirect.scatter.add.f32 [tilespmem:s18], [sflag:$0x2], $0x80, s9, s17, $0xb8;
	[tilespmem:$0x19000] =	vst v63  }
0xb5: {  	_ =	swait.ge [sflag:s14], $0x4000  }
0xb6: {  	[sflag:s14] =	ssyncset.done $0x0  }
0xb7: {  	[sflag:s14] =	ssyncadd.s32 $0xFFFFC000  }
0xb8: {  	[tilespmem:s18], [sflag:$0x1] =	stream.indirect.gather [hbm4b:s4+s17], $0x80, s10, s17, $0xb8;
	[tilespmem:$0x19000] =	vst v63  }
0xb9: {  	_ =	swait.ge [sflag:s19], $0x4000  }
0xba: {  	[sflag:s19] =	ssyncset.done $0x0  }
0xbb: {  	[sflag:s19] =	ssyncadd.s32 $0xFFFFC000  }
0xbc: {  	[spmem:s2] =	stream.indirect.scatter.add.f32 [tilespmem:s18], [sflag:$0x2], $0x80, s11, s17, $0xb8;
	[tilespmem:$0x19000] =	vst v63  }
0xbd: {  	_ =	swait.ge [sflag:s14], $0x4000  }
0xbe: {  	[sflag:s14] =	ssyncset.done $0x0  }
0xbf: {  	[sflag:s14] =	ssyncadd.s32 $0xFFFFC000  }
0xc0: {  	[tilespmem:s18], [sflag:$0x1] =	stream.indirect.gather [hbm4b:s4+s17], $0x80, s12, s17, $0xb8;
	[tilespmem:$0x19000] =	vst v63  }
0xc1: {  	_ =	swait.ge [sflag:s19], $0x4000  }
.Ltmp2:
0xc2: {  	[sflag:s19] =	ssyncset.done $0x0;
	(pc) =	sbr.rel @p0 .LBB2_6-.Ltmp2, $4  }
0xc3: {  	[sflag:s19] =	ssyncadd.s32 $0xFFFFC000  }
0xc4: {  	[spmem:s2] =	stream.indirect.scatter.add.f32 [tilespmem:s18], [sflag:$0x2], $0x80, s20, s17, $0xb8;
	[tilespmem:$0x19000] =	vst v63  }
0xc5: {  	_ =	swait.ge [sflag:s14], $0x4000  }
0xc6: {  	s23 =	smov.u32 s24;
	[sflag:s14] =	ssyncset.done $0x0  }
0xc7: {  	s13 =	sadd.s32 s22, s6;
	[sflag:s14] =	ssyncadd.s32 $0xFFFFC000  }
0xc8: {  	[tilespmem:s15], [sflag:$0x2] =	stream.linear.gather [hbm4b:s13+s3], $0x400, $0x38;
	[tilespmem:$0x19000] =	vst v63  }
0xc9: {  	_ =	swait.ge [sflag:s14], $0x400  }
0xca: {  	[sflag:s14] =	ssyncset.done $0x0  }
0xcb: {  	s22 =	sadd.s32 s22, s7;
	[sflag:s14] =	ssyncadd.s32 $0xFFFFFC00  }
0xcc: {  	[tilespmem:s16], [sflag:$0x2] =	stream.linear.gather [hbm4b:s22+s3], $0x400, $0x38;
	[tilespmem:$0x19000] =	vst v63  }
0xcd: {  	_ =	swait.ge [sflag:s14], $0x400  }
0xce: {  	[sflag:s14] =	ssyncset.done $0x0  }
0xcf: {  	[sflag:s14] =	ssyncadd.s32 $0xFFFFFC00  }
0xd0: {  	[tilespmem:s18], [sflag:$0x1] =	stream.indirect.gather [hbm4b:s4+s17], $0x80, s15, s17, $0xb8;
	[tilespmem:$0x19000] =	vst v63  }
0xd1: {  	_ =	swait.ge [sflag:s19], $0x4000  }
0xd2: {  	[sflag:s19] =	ssyncset.done $0x0  }
0xd3: {  	[sflag:s19] =	ssyncadd.s32 $0xFFFFC000  }
0xd4: {  	[spmem:s2] =	stream.indirect.scatter.add.f32 [tilespmem:s18], [sflag:$0x2], $0x80, s16, s17, $0xb8;
	[tilespmem:$0x19000] =	vst v63  }
0xd5: {  	_ =	swait.ge [sflag:s14], $0x4000  }
0xd6: {  	[sflag:s14] =	ssyncset.done $0x0  }
0xd7: {  	[sflag:s14] =	ssyncadd.s32 $0xFFFFC000  }
0xd8: {  	[tilespmem:s18], [sflag:$0x1] =	stream.indirect.gather [hbm4b:s4+s17], $0x80, s25, s17, $0xb8;
	[tilespmem:$0x19000] =	vst v63  }
0xd9: {  	_ =	swait.ge [sflag:s19], $0x4000  }
0xda: {  	[sflag:s19] =	ssyncset.done $0x0  }
0xdb: {  	[sflag:s19] =	ssyncadd.s32 $0xFFFFC000  }
0xdc: {  	[spmem:s2] =	stream.indirect.scatter.add.f32 [tilespmem:s18], [sflag:$0x2], $0x80, s26, s17, $0xb8;
	[tilespmem:$0x19000] =	vst v63  }
0xdd: {  	_ =	swait.ge [sflag:s14], $0x4000  }
0xde: {  	[sflag:s14] =	ssyncset.done $0x0  }
0xdf: {  	[sflag:s14] =	ssyncadd.s32 $0xFFFFC000  }
0xe0: {  	[tilespmem:s18], [sflag:$0x1] =	stream.indirect.gather [hbm4b:s4+s17], $0x80, s28, s17, $0xb8;
	[tilespmem:$0x19000] =	vst v63  }
0xe1: {  	_ =	swait.ge [sflag:s19], $0x4000  }
0xe2: {  	[sflag:s19] =	ssyncset.done $0x0  }
0xe3: {  	[sflag:s19] =	ssyncadd.s32 $0xFFFFC000  }
0xe4: {  	[spmem:s2] =	stream.indirect.scatter.add.f32 [tilespmem:s18], [sflag:$0x2], $0x80, s29, s17, $0xb8;
	[tilespmem:$0x19000] =	vst v63  }
0xe5: {  	_ =	swait.ge [sflag:s14], $0x4000  }
0xe6: {  	[sflag:s14] =	ssyncset.done $0x0  }
0xe7: {  	[sflag:s14] =	ssyncadd.s32 $0xFFFFC000  }
0xe8: {  	[tilespmem:s18], [sflag:$0x1] =	stream.indirect.gather [hbm4b:s4+s17], $0x80, s30, s17, $0xb8;
	[tilespmem:$0x19000] =	vst v63  }
0xe9: {  	_ =	swait.ge [sflag:s19], $0x4000  }
0xea: {  	[sflag:s19] =	ssyncset.done $0x0  }
0xeb: {  	[sflag:s19] =	ssyncadd.s32 $0xFFFFC000  }
0xec: {  	[spmem:s2] =	stream.indirect.scatter.add.f32 [tilespmem:s18], [sflag:$0x2], $0x80, s31, s17, $0xb8;
	[tilespmem:$0x19000] =	vst v63  }
0xed: {  	_ =	swait.ge [sflag:s14], $0x4000  }
0xee: {  	[sflag:s14] =	ssyncset.done $0x0  }
0xef: {  	[sflag:s14] =	ssyncadd.s32 $0xFFFFC000  }
0xf0: {  	[tilespmem:s18], [sflag:$0x1] =	stream.indirect.gather [hbm4b:s4+s17], $0x80, s1, s17, $0xb8;
	[tilespmem:$0x19000] =	vst v63  }
0xf1: {  	_ =	swait.ge [sflag:s19], $0x4000  }
0xf2: {  	[sflag:s19] =	ssyncset.done $0x0  }
0xf3: {  	[sflag:s19] =	ssyncadd.s32 $0xFFFFC000  }
0xf4: {  	[spmem:s2] =	stream.indirect.scatter.add.f32 [tilespmem:s18], [sflag:$0x2], $0x80, s0, s17, $0xb8;
	[tilespmem:$0x19000] =	vst v63  }
0xf5: {  	_ =	swait.ge [sflag:s14], $0x4000  }
0xf6: {  	[sflag:s14] =	ssyncset.done $0x0  }
0xf7: {  	[sflag:s14] =	ssyncadd.s32 $0xFFFFC000  }
0xf8: {  	[tilespmem:s18], [sflag:$0x1] =	stream.indirect.gather [hbm4b:s4+s17], $0x80, s8, s17, $0xb8;
	[tilespmem:$0x19000] =	vst v63  }
0xf9: {  	_ =	swait.ge [sflag:s19], $0x4000  }
0xfa: {  	[sflag:s19] =	ssyncset.done $0x0  }
0xfb: {  	[sflag:s19] =	ssyncadd.s32 $0xFFFFC000  }
0xfc: {  	[spmem:s2] =	stream.indirect.scatter.add.f32 [tilespmem:s18], [sflag:$0x2], $0x80, s9, s17, $0xb8;
	[tilespmem:$0x19000] =	vst v63  }
0xfd: {  	_ =	swait.ge [sflag:s14], $0x4000  }
0xfe: {  	[sflag:s14] =	ssyncset.done $0x0  }
0xff: {  	[sflag:s14] =	ssyncadd.s32 $0xFFFFC000  }
0x100: {  	[tilespmem:s18], [sflag:$0x1] =	stream.indirect.gather [hbm4b:s4+s17], $0x80, s10, s17, $0xb8;
	[tilespmem:$0x19000] =	vst v63  }
0x101: {  	_ =	swait.ge [sflag:s19], $0x4000  }
0x102: {  	[sflag:s19] =	ssyncset.done $0x0  }
0x103: {  	[sflag:s19] =	ssyncadd.s32 $0xFFFFC000  }
0x104: {  	[spmem:s2] =	stream.indirect.scatter.add.f32 [tilespmem:s18], [sflag:$0x2], $0x80, s11, s17, $0xb8;
	[tilespmem:$0x19000] =	vst v63  }
0x105: {  	_ =	swait.ge [sflag:s14], $0x4000  }
0x106: {  	[sflag:s14] =	ssyncset.done $0x0  }
0x107: {  	[sflag:s14] =	ssyncadd.s32 $0xFFFFC000  }
0x108: {  	[tilespmem:s18], [sflag:$0x1] =	stream.indirect.gather [hbm4b:s4+s17], $0x80, s12, s17, $0xb8;
	[tilespmem:$0x19000] =	vst v63  }
0x109: {  	_ =	swait.ge [sflag:s19], $0x4000  }
0x10a: {  	[sflag:s19] =	ssyncset.done $0x0  }
0x10b: {  	[sflag:s19] =	ssyncadd.s32 $0xFFFFC000  }
0x10c: {  	[spmem:s2] =	stream.indirect.scatter.add.f32 [tilespmem:s18], [sflag:$0x2], $0x80, s20, s17, $0xb8;
	[tilespmem:$0x19000] =	vst v63  }
0x10d: {  	_ =	swait.ge [sflag:s14], $0x4000  }
0x10e: {  	[sflag:s14] =	ssyncset.done $0x0  }
0x10f: {  	[sflag:s14] =	ssyncadd.s32 $0xFFFFC000  }
0x110: {  	[bflag:$0x0] =	sbarrier.arrive $0xFFFF  }
0x111: {  	[tilespmem:s18], [sflag:$0x2] =	stream.linear.gather [spmem:s5], $0x4000, $0x38;
	[tilespmem:$0x19000] =	vst v63  }
0x112: {  	_ =	swait.ge [sflag:s14], $0x4000  }
0x113: {  	[sflag:s14] =	ssyncset.done $0x0  }
0x114: {  	s23 =	rddreg [dreg:$0x8];
	[sflag:s14] =	ssyncadd.s32 $0xFFFFC000  }
0x115: {  	[hbm4b:s23+s3] =	stream.linear.scatter [tilespmem:s18], [sflag:$0x2], $0x4000, $0x38;
	[tilespmem:$0x19000] =	vst v63  }
0x116: {  	_ =	swait.ge [sflag:s14], $0x4000  }
0x117: {  	[sflag:s14] =	ssyncset.done $0x0  }
0x118: {  	s24 =	rddreg [dreg:$0x4];
	[sflag:s14] =	ssyncadd.s32 $0xFFFFC000  }
0x119: {  	[tilespmem:s18], [sflag:$0x2] =	stream.linear.gather [spmem:s24], $0x4000, $0x38;
	[tilespmem:$0x19000] =	vst v63  }
0x11a: {  	_ =	swait.ge [sflag:s14], $0x4000  }
0x11b: {  	[sflag:s14] =	ssyncset.done $0x0  }
0x11c: {  	s21 =	rddreg [dreg:$0x9];
	[sflag:s14] =	ssyncadd.s32 $0xFFFFC000  }
0x11d: {  	[hbm4b:s21+s3] =	stream.linear.scatter [tilespmem:s18], [sflag:$0x2], $0x4000, $0x38;
	[tilespmem:$0x19000] =	vst v63  }
0x11e: {  	_ =	swait.ge [sflag:s14], $0x4000  }
0x11f: {  	[sflag:s14] =	ssyncset.done $0x0  }
0x120: {  	s22 =	rddreg [dreg:$0x5];
	[sflag:s14] =	ssyncadd.s32 $0xFFFFC000  }
0x121: {  	[tilespmem:s18], [sflag:$0x2] =	stream.linear.gather [spmem:s22], $0x4000, $0x38;
	[tilespmem:$0x19000] =	vst v63  }
0x122: {  	_ =	swait.ge [sflag:s14], $0x4000  }
0x123: {  	[sflag:s14] =	ssyncset.done $0x0  }
0x124: {  	s23 =	rddreg [dreg:$0xa];
	[sflag:s14] =	ssyncadd.s32 $0xFFFFC000  }
0x125: {  	[hbm4b:s23+s3] =	stream.linear.scatter [tilespmem:s18], [sflag:$0x2], $0x4000, $0x38;
	[tilespmem:$0x19000] =	vst v63  }
0x126: {  	_ =	swait.ge [sflag:s14], $0x4000  }
0x127: {  	[sflag:s14] =	ssyncset.done $0x0  }
0x128: {  	s24 =	rddreg [dreg:$0x6];
	[sflag:s14] =	ssyncadd.s32 $0xFFFFC000  }
0x129: {  	[tilespmem:s18], [sflag:$0x2] =	stream.linear.gather [spmem:s24], $0x4000, $0x38;
	[tilespmem:$0x19000] =	vst v63  }
0x12a: {  	_ =	swait.ge [sflag:s14], $0x4000  }
0x12b: {  	[sflag:s14] =	ssyncset.done $0x0  }
0x12c: {  	s21 =	rddreg [dreg:$0xb];
	[sflag:s14] =	ssyncadd.s32 $0xFFFFC000  }
0x12d: {  	[hbm4b:s21+s3] =	stream.linear.scatter [tilespmem:s18], [sflag:$0x2], $0x4000, $0x38;
	[tilespmem:$0x19000] =	vst v63  }
0x12e: {  	_ =	swait.ge [sflag:s14], $0x4000  }
0x12f: {  	[sflag:s14] =	ssyncset.done $0x0  }
0x130: {  	s22 =	rddreg [dreg:$0x7];
	[sflag:s14] =	ssyncadd.s32 $0xFFFFC000  }
0x131: {  	[tilespmem:s18], [sflag:$0x2] =	stream.linear.gather [spmem:s22], $0x4000, $0x38;
	[tilespmem:$0x19000] =	vst v63  }
0x132: {  	_ =	swait.ge [sflag:s14], $0x4000  }
0x133: {  	[sflag:s14] =	ssyncset.done $0x0  }
0x134: {  	s23 =	rddreg [dreg:$0xc];
	[sflag:s14] =	ssyncadd.s32 $0xFFFFC000  }
0x135: {  	[hbm4b:s23+s3] =	stream.linear.scatter [tilespmem:s18], [sflag:$0x2], $0x4000, $0x38;
	[tilespmem:$0x19000] =	vst v63  }
0x136: {  	_ =	swait.ge [sflag:s14], $0x4000  }
0x137: {  	s21 =	rddreg [dreg:$0xd]  }
0x138: {  	s24 =	rddreg [dreg:$0x3];
	s21 =	sadd.s32 $0x1, s21  }
0x139: {  	p0 =	sne.s32 s21, s24  }
.Ltmp3:
0x13a: {  	_ = 	snop;
	(pc) =	sbr.rel @p0 .LBB2_1-.Ltmp3, $3  }
0x13b: {  	_ =	sdelay $0x1  }
0x13c: {  	[sflag:s14] =	ssyncset.done $0x0  }
0x13d: {  	s13 =	simm.s32 $0x18800;
	[sflag:s14] =	ssyncadd.s32 $0xFFFFC000  }
0x13e: {  	_ =	sfence.sel $0x180000  }
0x13f: {  	[bflag:$0x0] =	sbarrier.arrive $0xFFFF  }
0x140: {  	_ =	strace $0x9000004A  }
0x141: {  	s0 =	stileid.u32;
	[bflag:$0x2] =	sbarrier.arrive $0xFFFF  }
0x142: {  	p0 =	sne.s32 s0, $0x0;
	s0 =	rddreg [dreg:$0x2]  }
0x143: {  	s0 =	sadd.s32 @!p0 $0x100000, s0  }
0x144: {  	[sflag:s0] =	ssyncadd.tile.s32 @!p0 $0x1;
	_ =	shalt  }
.Lfunc_end2:
_tile_overlayer_lowered:
.L_overlay_start_2:
0x145: {  	(tag) =	ssettag $0x2  }
0x146: {  	s0 =	rddreg [dreg:$0x0];
	s2 =	stileid.u32  }
0x147: {  	s1 =	rddreg [dreg:$0x1];
	p0 =	sne.s32 s2, $0x0  }
0x148: {  	s3 =	rddreg [dreg:$0x2];
	[bflag:$0x3] =	sbarrier.arrive $0xFFFF;
	s2 =	simm.s32 @!p0 $0x1C02  }
0x149: {  	[timem:s3], [sflag:s2] =	dma.local @!p0 [hbm:s0], s1  }
0x14a: {  	s0 =	simm.s32 @!p0 $0x2  }
0x14b: {  	_ =	swait.ge @!p0 [sflag:s0], s1  }
0x14c: {  	s1 =	ssub.s32 @!p0 $0x0, s1;
	[sflag:s0] =	ssyncset.done @!p0 $0x0  }
0x14d: {  	[sflag:s0] =	ssyncadd.s32 @!p0 s1  }
0x14e: {  	[bflag:$0x3] =	sbarrier.arrive $0xFFFF  }
0x14f: {  	_ =	shalt  }

// kernel: kernel.7.cloned.1.call-start
scs
__scs_entry_jumppad:
0x0: {  	(pc) =	sbr.rel $0x88, $3  }
0x1: {  	(tag) =	ssettag $0x0;
	lr =	simm.s32 $0x1  }
0x2: {  	[smem:$0x3F97] =	sst lr;
	_ =	strace $0xD0000000  }
0x3: {  	_ = 	snop  }
0x4: {  	_ = 	snop  }
0x5: {  	_ = 	snop  }
0x6: {  	_ = 	snop  }
0x7: {  	_ = 	snop  }
__scs_overlays_trampoline_lowered:
0x8: {  	[smem:$0x3FA6] =	sst s0  }
0x9: {  	[smem:$0x3FA7] =	sst s1  }
0xa: {  	[smem:$0x3FA8] =	sst s2  }
0xb: {  	[smem:$0x3FA9] =	sst s3  }
0xc: {  	[smem:$0x3FAA] =	sst s4  }
0xd: {  	[smem:$0x3FAB] =	sst s5  }
0xe: {  	[smem:$0x3FAC] =	sst s6  }
0xf: {  	[smem:$0x3FAD] =	sst s7  }
0x10: {  	[smem:$0x3FAE] =	sst s8  }
0x11: {  	[smem:$0x3FAF] =	sst s9;
	s0 =	simm.s32 @!p0 $0x0  }
0x12: {  	s1 =	sld [smem:$0x3F95];
	s0 =	simm.s32 @p0 $0x1  }
0x13: {  	[smem:$0x3FB0] =	sst s0;
	s0 =	simm.s32 @!p1 $0x0  }
0x14: {  	s2 =	sld [smem:$0x3F94];
	s0 =	simm.s32 @p1 $0x1  }
0x15: {  	[smem:$0x3FB1] =	sst s0;
	s0 =	simm.s32 @!p2 $0x0  }
0x16: {  	s3 =	sld [smem:$0x3FDB];
	s0 =	simm.s32 @p2 $0x1  }
0x17: {  	s4 =	simm.s32 $0x1BF5;
	[smem:$0x3FB3] =	sst s0  }
0x18: {  	s0 =	sld [smem:$0x3F96];
	_ =	swait.ge [sflag:s4], $0x0  }
0x19: {  	s7 =	sld [smem:$0x3F97]  }
0x1a: {  	s8 =	sadd.s32 $0xFFFFE003, lr  }
0x1b: {  	s9 =	sadd.s32 $0xFFFFFEF7, lr;
	s5 =	simm.s32 $0xFFFFFFFF;
	p2 =	slt.u32 s8, $0xFFFFF086  }
0x1c: {  	p1 =	slt.u32 s9, $0xF7A;
	s5 =	simm.s32 @!p2 $0x0  }
0x1d: {  	s5 =	simm.s32 @p1 $0x1;
	p0 =	seq.s32 s7, s2  }
0x1e: {  	s7 =	smul.u32 @!p0 $0xF7A, s2;
	p2 =	seq.s32 @!p0 s5, $0x0  }
0x1f: {  	s9 =	smul.u32 $0xF7A, s1;
	s8 =	simm.s32 @!p0 $0x1BF5;
	p2 =	por !p2, p0  }
0x20: {  	[sflag:s8] =	ssyncset.s32 @!p0 $0xFFFFF086;
	s6 =	sadd.s32 @!p0 s3, s7;
	s7 =	simm.s32 @!p0 $0x108  }
0x21: {  	s3 =	sadd.s32 s3, s9;
	s6 =	sadd.s32 @!p0 $0x88, s6;
	s7 =	simm.s32 @p2 $0x1082  }
0x22: {  	[simem:s7], [sflag:s8] =	dma.local @!p0 [hbm:s6], $0xF7A  }
0x23: {  	s9 =	sor.u32 $0xD0000000, s2;
	s6 =	simm.s32 $0x108;
	_ =	swait.ge @!p0 [sflag:s8], $0x0  }
0x24: {  	s3 =	sadd.s32 $0x88, s3;
	s6 =	simm.s32 @!p1 $0x1082;
	[sflag:s4] =	ssyncset.s32 $0xFFFFF086  }
0x25: {  	[simem:s6], [sflag:s4] =	dma.local [hbm:s3], $0xF7A  }
0x26: {  	[smem:$0x3F97] =	sst s1;
	(tag) =	ssettag s2;
	_ =	strace s9  }
0x27: {  	s1 =	sld [smem:$0x3FA7]  }
0x28: {  	s2 =	sld [smem:$0x3FA8]  }
0x29: {  	s4 =	sld [smem:$0x3FAA]  }
0x2a: {  	p0 =	seq.s32 s5, $0x0;
	s5 =	sld [smem:$0x3FAB]  }
0x2b: {  	s6 =	sld [smem:$0x3FAC]  }
0x2c: {  	s7 =	sld [smem:$0x3FAD]  }
0x2d: {  	s3 =	simm.s32 $0x108;
	s8 =	sld [smem:$0x3FAE]  }
0x2e: {  	s3 =	simm.s32 @!p0 $0x1082;
	s9 =	sld [smem:$0x3FAF]  }
0x2f: {  	lr =	sadd.s32 s0, s3;
	s0 =	sld [smem:$0x3FA6]  }
0x30: {  	s3 =	sld [smem:$0x3FA9]  }
0x31: {  	[smem:$0x3FB2] =	sst s10  }
0x32: {  	s10 =	sld [smem:$0x3FB0];
	_ =	sdelay $0x3  }
0x33: {  	p0 =	seq.s32 s10, $0x1;
	s10 =	sld [smem:$0x3FB2];
	_ =	sdelay $0x3  }
0x34: {  	[smem:$0x3FB2] =	sst s10  }
0x35: {  	s10 =	sld [smem:$0x3FB1];
	_ =	sdelay $0x3  }
0x36: {  	p1 =	seq.s32 s10, $0x1;
	s10 =	sld [smem:$0x3FB2];
	_ =	sdelay $0x3  }
0x37: {  	[smem:$0x3FB2] =	sst s10  }
0x38: {  	s10 =	sld [smem:$0x3FB3]  }
0x39: {  	_ = 	snop;
	(pc) =	sbr.ind lr, $3  }
0x3a: {  	_ = 	snop  }
0x3b: {  	_ = 	snop  }
0x3c: {  	p2 =	seq.s32 s10, $0x1;
	s10 =	sld [smem:$0x3FB2]  }
0x3d: {  	_ =	shalt  }
0x3e: {  	_ =	shalt  }
0x3f: {  	_ =	shalt  }
0x40: {  	_ =	shalt  }
0x41: {  	_ =	shalt  }
0x42: {  	_ =	shalt  }
0x43: {  	_ =	shalt  }
0x44: {  	_ =	shalt  }
0x45: {  	_ =	shalt  }
0x46: {  	_ =	shalt  }
0x47: {  	_ =	shalt  }
0x48: {  	_ =	shalt  }
0x49: {  	_ =	shalt  }
0x4a: {  	_ =	shalt  }
0x4b: {  	_ =	shalt  }
0x4c: {  	_ =	shalt  }
0x4d: {  	_ =	shalt  }
0x4e: {  	_ =	shalt  }
0x4f: {  	_ =	shalt  }
0x50: {  	_ =	shalt  }
0x51: {  	_ =	shalt  }
0x52: {  	_ =	shalt  }
0x53: {  	_ =	shalt  }
0x54: {  	_ =	shalt  }
0x55: {  	_ =	shalt  }
0x56: {  	_ =	shalt  }
0x57: {  	_ =	shalt  }
0x58: {  	_ =	shalt  }
0x59: {  	_ =	shalt  }
0x5a: {  	_ =	shalt  }
0x5b: {  	_ =	shalt  }
0x5c: {  	_ =	shalt  }
0x5d: {  	_ =	shalt  }
0x5e: {  	_ =	shalt  }
0x5f: {  	_ =	shalt  }
0x60: {  	_ =	shalt  }
0x61: {  	_ =	shalt  }
0x62: {  	_ =	shalt  }
0x63: {  	_ =	shalt  }
0x64: {  	_ =	shalt  }
0x65: {  	_ =	shalt  }
0x66: {  	_ =	shalt  }
0x67: {  	_ =	shalt  }
0x68: {  	_ =	shalt  }
0x69: {  	_ =	shalt  }
0x6a: {  	_ =	shalt  }
0x6b: {  	_ =	shalt  }
0x6c: {  	_ =	shalt  }
0x6d: {  	_ =	shalt  }
0x6e: {  	_ =	shalt  }
0x6f: {  	_ =	shalt  }
0x70: {  	_ =	shalt  }
0x71: {  	_ =	shalt  }
0x72: {  	_ =	shalt  }
0x73: {  	_ =	shalt  }
0x74: {  	_ =	shalt  }
0x75: {  	_ =	shalt  }
0x76: {  	_ =	shalt  }
0x77: {  	_ =	shalt  }
0x78: {  	_ =	shalt  }
0x79: {  	_ =	shalt  }
0x7a: {  	_ =	shalt  }
0x7b: {  	_ =	shalt  }
0x7c: {  	_ =	shalt  }
0x7d: {  	_ =	shalt  }
0x7e: {  	_ =	shalt  }
0x7f: {  	_ =	shalt  }
0x80: {  	_ =	shalt  }
0x81: {  	_ =	shalt  }
0x82: {  	_ =	shalt  }
0x83: {  	_ =	shalt  }
0x84: {  	_ =	shalt  }
0x85: {  	_ =	shalt  }
0x86: {  	_ =	shalt  }
0x87: {  	_ =	shalt  }
.Lfunc_end0:
.L_simem_size_0:
called_computation_lowered:
.L_overlay_start_0:
0x88: {  	s2 =	sld [smem:$0x3FD9]  }
0x89: {  	s3 =	sld [smem:$0x3FFE];
	_ =	sdelay $0x1  }
0x8a: {  	s1 =	srdreg.scid  }
0x8b: {  	s0 =	sand.u32 $0x1, s1  }
0x8c: {  	s16 =	sshll.u32 s0, $0xA;
	s2 =	sadd.s32 s3, s2  }
0x8d: {  	s2 =	sadd.s32 s2, s16  }
0x8e: {  	[smem:$0x3FBE] =	sst s2  }
0x8f: {  	_ = 	snop  }
0x90: {  	(tm) =	ssettm $0x1  }
0x91: {  	s17 =	sld [smem:$0x3FFB];
	_ =	sdelay $0x3  }
0x92: {  	_ =	strace s17  }
0x93: {  	s2 =	sld [smem:$0x3FFC];
	_ =	sdelay $0x3  }
0x94: {  	_ =	strace s2  }
0x95: {  	s2 =	sld [smem:$0x3FFD];
	_ =	sdelay $0x3  }
0x96: {  	_ =	strace s2  }
0x97: {  	_ =	strace $0x8FFFFFFF  }
0x98: {  	s18 =	sld [smem:$0x3FDB];
	_ =	sdelay $0x1  }
0x99: {  	s19 =	simm.s32 $_scs_section_size  }
0x9a: {  	s4 =	simm.s32 $_size__tile_overlayer_lowered;
	s5 =	simm.s32 $_tile_overlayer_lowered  }
0x9b: {  	s22 =	simm.s32 $0x1BFF;
	s21 =	sshll.u32 s5, $0x1;
	s2 =	sadd.s32 s19, s18  }
0x9c: {  	s6 =	simm.s32 $0x0;
	s20 =	sshll.u32 s4, $0x1;
	s4 =	sadd.s32 s21, s2  }
0x9d: {  	[timem:s6], [sflag:s22] =	dma.local [hbm:s4], s20  }
0x9e: {  	_ =	swait.ge [sflag:s22], s20  }
0x9f: {  	s3 =	ssub.s32 $0x0, s20;
	[sflag:s22] =	ssyncset.done $0x0  }
0xa0: {  	[sflag:s22] =	ssyncadd.s32 s3;
	_ =	sdelay $0x1  }
0xa1: {  	s23 =	simm.s32 $0x1B8B  }
0xa2: {  	_ =	swait.ge [sflag:s23], $0x1  }
0xa3: {  	[sflag:s23] =	ssyncset.done $0x0  }
0xa4: {  	s25 =	simm.s32 $0x1B8E;
	s24 =	sld [smem:$0x3FFE];
	[sflag:s23] =	ssyncadd.s32 $0xFFFFFFFF  }
0xa5: {  	s26 =	simm.s32 $execute0_lowered;
	[smem:$0x3FD2] =	sst s25  }
0xa6: {  	s4 =	sshll.u32 s26, $0x1;
	_ =	strace $0x80000046;
	[dreg:$0x1] =	wrdreg $0xFFFFFFFF  }
0xa7: {  	s28 =	simm.s32 $_size_execute0_lowered;
	s2 =	sadd.s32 s2, s4;
	[dreg:$0x0] =	wrdreg $0x0  }
0xa8: {  	s4 =	sshll.u32 s28, $0x1;
	[dreg:$0x2] =	wrdreg s2  }
0xa9: {  	[dreg:$0x3] =	wrdreg s4  }
0xaa: {  	[dreg:$0x4] =	wrdreg $0xC0  }
0xab: {  	_ =	task [dreg:s6], $0x5FFFF  }
0xac: {  	[dreg:$0x1] =	wrdreg $0xFFFFFFFF  }
0xad: {  	[dreg:$0x0] =	wrdreg $0x60  }
0xae: {  	[dreg:$0x2] =	wrdreg s24  }
0xaf: {  	[dreg:$0x3] =	wrdreg $0x0  }
0xb0: {  	[dreg:$0x4] =	wrdreg $0x9  }
0xb1: {  	_ =	task.clear_ibuf [dreg:s6], $0x5FFFF;
	_ =	strace $0x90000046  }
0xb2: {  	s29 =	simm.s32 $0x9;
	_ =	strace $0x80000048  }
0xb3: {  	_ =	swait.ge [sflag:s29], $0x1  }
0xb4: {  	[sflag:s29] =	ssyncadd.s32 $0xFFFFFFFF  }
0xb5: {  	_ =	strace $0x90000048  }
0xb6: {  	_ =	sfence  }
0xb7: {  	s30 =	sld [smem:$0x0];
	_ =	sdelay $0x2  }
0xb8: {  	s31 =	sshll.u32 s1, $0xD;
	s1 =	sshrl.u32 s1, $0x2  }
0xb9: {  	s3 =	sand.u32 $0x4000, s31;
	s1 =	sadd.s32 s1, s30  }
0xba: {  	s0 =	sor.u32 s3, s0;
	s1 =	sshll.u32 s1, $0x11  }
0xbb: {  	s0 =	sor.u32 s1, s0  }
0xbc: {  	s0 =	sadd.s32 $0x8F2B, s0  }
0xbd: {  	[sflag:s0] =	ssyncadd.remote.s32 $0x1  }
0xbe: {  	_ =	sfence.sel $0xFFFF  }
0xbf: {  	[dreg:$0x0] =	wrdreg $0xFFFFFFFF;
	(pc) =	sbr.abs _section_cstart, $3  }
0xc0: {  	[dreg:$0x1] =	wrdreg $0xFFFFFFFF  }
0xc1: {  	_ =	task.clear_ibuf [dreg:s6], $0x2FFFF;
	_ =	strace $0x9FFFFFFF  }
0xc2: {  	(tm) =	ssettm $0x7FFFFFFF  }
0xc3: {  	_ =	shalt  }
tec
execute0_lowered:
.L_overlay_start_1:
0x0: {  	(tag) =	ssettag $0x1  }
0x1: {  	s0 =	rddreg [dreg:$0x0]  }
0x2: {  	s2 =	rddreg [dreg:$0x1]  }
0x3: {  	s3 =	srdreg.scid;
	s1 =	stileid.u32;
	s16 =	simm.s32 $0x14000  }
0x4: {  	s17 =	simm.s32 $0x14400;
	s18 =	simm.s32 $0x80;
	s24 =	smul.u32 $0x50000, s1  }
0x5: {  	s19 =	simm.s32 $0x14800;
	s29 =	simm.s32 $0x0;
	s12 =	smul.u32 $0x280, s1  }
0x6: {  	s5 =	sand.u32 $0x1, s3;
	s6 =	sshrl.u32 s1, $0x2;
	s20 =	smul.u32 $0x2800, s1  }
0x7: {  	s4 =	sshll.u32 s1, $0x1;
	s3 =	simm.s32 $0x0;
	s6 =	smul.u32 $0x14000, s6  }
0x8: {  	s4 =	sor.u32 s5, s4;
	[smem:$0x7FF] =	sst s3;
	s9 =	smul.u32 $0x28000, s5  }
0x9: {  	s5 =	ssub.s32 $0x2, s5;
	s7 =	sshll.u32 s4, $0x7;
	_ =	strace $0x80000047  }
0xa: {  	s8 =	smul.u32 $0x500, s4;
	s4 =	sadd.s32 $0x15E00, s0;
	s25 =	sshrl.u32 s5, $0x1  }
0xb: {  	s11 =	sadd.s32 $0x80, s12;
	s28 =	sadd.s32 $0x100, s12;
	s13 =	sadd.s32 $0x180, s12  }
0xc: {  	s15 =	sadd.s32 $0x200, s12;
	s7 =	sand.u32 $0x380, s7;
	s9 =	sadd.s32 s9, s0  }
0xd: {  	s10 =	ssub.s32 s5, s25;
	s26 =	sshll.u32 s11, $0x7;
	s21 =	sshll.u32 s11, $0x4  }
0xe: {  	s30 =	sshll.u32 s28, $0x7;
	s14 =	sshll.u32 s13, $0x7;
	s31 =	sshll.u32 s15, $0x7  }
0xf: {  	s25 =	sshll.u32 s15, $0x4;
	s15 =	simm.s32 $0x2;
	s6 =	sor.u32 s6, s7  }
0x10: {  	s23 =	sadd.s32 s8, s0;
	s8 =	sshrl.u32 s24, $0x2;
	s24 =	sadd.s32 $0x47E00, s9  }
0x11: {  	s9 =	smax.u32 s10, $0x1;
	s10 =	sadd.s32 s26, s2;
	s11 =	sadd.s32 s30, s2  }
0x12: {  	s12 =	sadd.s32 s14, s2;
	s14 =	simm.s32 $0x18800;
	s26 =	simm.s32 $0x19000  }
0x13: {  	s6 =	sshrl.u32 s6, $0x3;
	s5 =	sadd.s32 s8, s2;
	s7 =	sadd.s32 $0xBE00, s23  }
0x14: {  	s20 =	sadd.s32 s20, s24;
	s21 =	sadd.s32 s21, s24;
	s0 =	sadd.s32 s6, s0  }
0x15: {  	s6 =	sadd.s32 $0x1E00, s23;
	s23 =	sshll.u32 s13, $0x4;
	s13 =	sadd.s32 s31, s2  }
0x16: {  	s8 =	sadd.s32 $0x3DE00, s0;
	s0 =	sshll.u32 s28, $0x4;
	s23 =	sadd.s32 s23, s24  }
0x17: {  	v0 =	vimm.f32 $0.0e+00;
	v1 =	vimm.f32 $1.000000000e+00;
	s22 =	sadd.s32 s0, s24;
	s24 =	sadd.s32 s25, s24;
	s25 =	simm.s32 $0x1  }
.LBB2_1:
0x18: {  	s0 =	simm.s32 $0x0;
	s30 =	simm.s32 $0x200  }
.LBB2_2:
0x19: {  	p0 =	sne.s32 s30, $0x1E00;
	[tilespmem:s0+$0x18870] =	vst v0  }
0x1a: {  	[tilespmem:s0+$0x18800] =	vst v0  }
0x1b: {  	[tilespmem:s0+$0x18810] =	vst v0  }
.Ltmp0:
0x1c: {  	[tilespmem:s0+$0x18820] =	vst v0;
	(pc) =	sbr.rel @p0 .LBB2_2-.Ltmp0, $4  }
0x1d: {  	[tilespmem:s0+$0x18830] =	vst v0  }
0x1e: {  	[tilespmem:s0+$0x18840] =	vst v0  }
0x1f: {  	[tilespmem:s0+$0x18850] =	vst v0  }
0x20: {  	[tilespmem:s0+$0x18860] =	vst v0;
	s0 =	sshra.s32 s30, $0x2;
	s30 =	sadd.s32 $0x200, s30  }
0x21: {  	[tilespmem:s0+$0x18870] =	vst v0  }
0x22: {  	[tilespmem:s0+$0x18800] =	vst v0  }
0x23: {  	[tilespmem:s0+$0x18810] =	vst v0  }
0x24: {  	[tilespmem:s0+$0x18820] =	vst v0  }
0x25: {  	[tilespmem:s0+$0x18830] =	vst v0  }
0x26: {  	[tilespmem:s0+$0x18840] =	vst v0  }
0x27: {  	[tilespmem:s0+$0x18850] =	vst v0  }
0x28: {  	[tilespmem:s0+$0x18860] =	vst v0;
	s31 =	sadd.s32 $0x0, s5  }
0x29: {  	[spmem:s31] =	stream.linear.scatter [tilespmem:s14], [sflag:$0x2], $0x800, $0x38;
	[tilespmem:$0x1B800] =	vst v63  }
0x2a: {  	s0 =	simm.s32 $0x2000;
	_ =	swait.ge [sflag:s15], $0x800  }
.LBB2_4:
0x2b: {  	s30 =	sshra.s32 s0, $0x2;
	[sflag:s15] =	ssyncset.done $0x0;
	p0 =	sne.s32 s0, $0x4E000  }
.Ltmp1:
0x2c: {  	s30 =	sadd.s32 s30, s5;
	[sflag:s15] =	ssyncadd.s32 $0xFFFFF800;
	(pc) =	sbr.rel @p0 .LBB2_4-.Ltmp1, $3  }
0x2d: {  	[spmem:s30] =	stream.linear.scatter [tilespmem:s14], [sflag:$0x2], $0x800, $0x38;
	[tilespmem:$0x1B800] =	vst v63  }
0x2e: {  	s0 =	sadd.s32 $0x2000, s0;
	_ =	sdelay $0x1  }
0x2f: {  	_ =	swait.ge [sflag:s15], $0x800  }
0x30: {  	[sflag:s15] =	ssyncset.done $0x0  }
0x31: {  	s0 =	simm.s32 $0x40;
	s30 =	simm.s32 $0x0;
	[sflag:s15] =	ssyncadd.s32 $0xFFFFF800  }
.LBB2_6:
0x32: {  	p0 =	sne.s32 s0, $0x9FC0;
	[tilespmem:s30+$0x19000] =	vst v0;
	s30 =	smov.u32 s0;
	s0 =	sadd.s32 $0x40, s0  }
.Ltmp2:
0x33: {  	(pc) =	sbr.rel @p0 .LBB2_6-.Ltmp2, $2  }
0x34: {  	_ =	sdelay $0x2  }
0x35: {  	s30 =	sshra.s32 s30, $0x2  }
0x36: {  	[tilespmem:s30+$0x19000] =	vst v0  }
0x37: {  	s30 =	simm.s32 $0x0;
	s31 =	simm.s32 $0x0;
	[bflag:$0x0] =	sbarrier.arrive $0xFFFF  }
.LBB2_8:
0x38: {  	s0 =	sshll.u32 s31, $0x7  }
0x39: {  	s1 =	sadd.s32 s0, s6  }
0x3a: {  	[tilespmem:s16], [sflag:$0x2] =	stream.linear.gather [hbm4b:s1+s30], $0x400, $0x38;
	[tilespmem:$0x1B800] =	vst v63  }
0x3b: {  	_ =	swait.ge [sflag:s15], $0x400  }
0x3c: {  	[sflag:s15] =	ssyncset.done $0x0  }
0x3d: {  	s0 =	sadd.s32 s0, s7;
	[sflag:s15] =	ssyncadd.s32 $0xFFFFFC00  }
0x3e: {  	[tilespmem:s17], [sflag:$0x2] =	stream.linear.gather [hbm4b:s0+s30], $0x400, $0x38;
	[tilespmem:$0x1B800] =	vst v63  }
0x3f: {  	_ =	swait.ge [sflag:s15], $0x400  }
0x40: {  	[sflag:s15] =	ssyncset.done $0x0  }
0x41: {  	s0 =	simm.s32 $0x0;
	[sflag:s15] =	ssyncadd.s32 $0xFFFFFC00  }
.LBB2_9:
0x42: {  	s1 =	sshra.s32 s0, $0x2  }
0x43: {  	s28 =	sadd.s32 $0x14000, s1  }
0x44: {  	[tilespmem:s19], [sflag:$0x1] =	stream.indirect.gather [hbm4b:s4+s18], $0x80, s28, s18, $0xb8;
	[tilespmem:$0x1B800] =	vst v63  }
0x45: {  	_ =	swait.ge [sflag:s25], $0x4000  }
0x46: {  	[sflag:s25] =	ssyncset.done $0x0  }
0x47: {  	s28 =	sadd.s32 $0x14400, s1;
	[sflag:s25] =	ssyncadd.s32 $0xFFFFC000  }
0x48: {  	[spmem:s2] =	stream.indirect.scatter.add.f32 [tilespmem:s19], [sflag:$0x2], $0x80, s28, s18, $0xb8;
	[tilespmem:$0x1B800] =	vst v63  }
0x49: {  	_ =	swait.ge [sflag:s15], $0x4000  }
0x4a: {  	[sflag:s15] =	ssyncset.done $0x0  }
0x4b: {  	[sflag:s15] =	ssyncadd.s32 $0xFFFFC000  }
0x4c: {  	v2 =	vld [tilespmem:s1+$0x14400];
	_ =	sdelay $0x7  }
0x4d: {  	[tilespmem:v2+s26+$0x0] =	vst.idx.add.f32.msk $0xffff, v1  }
0x4e: {  	v2 =	vld [tilespmem:s1+$0x14410];
	_ =	sdelay $0x7  }
0x4f: {  	[tilespmem:v2+s26+$0x0] =	vst.idx.add.f32.msk $0xffff, v1  }
0x50: {  	v2 =	vld [tilespmem:s1+$0x14420];
	_ =	sdelay $0x7  }
0x51: {  	[tilespmem:v2+s26+$0x0] =	vst.idx.add.f32.msk $0xffff, v1  }
0x52: {  	v2 =	vld [tilespmem:s1+$0x14430];
	_ =	sdelay $0x7  }
0x53: {  	[tilespmem:v2+s26+$0x0] =	vst.idx.add.f32.msk $0xffff, v1  }
0x54: {  	v2 =	vld [tilespmem:s1+$0x14440];
	_ =	sdelay $0x7  }
0x55: {  	[tilespmem:v2+s26+$0x0] =	vst.idx.add.f32.msk $0xffff, v1  }
0x56: {  	v2 =	vld [tilespmem:s1+$0x14450];
	_ =	sdelay $0x7  }
0x57: {  	[tilespmem:v2+s26+$0x0] =	vst.idx.add.f32.msk $0xffff, v1  }
0x58: {  	v2 =	vld [tilespmem:s1+$0x14460];
	_ =	sdelay $0x7  }
0x59: {  	[tilespmem:v2+s26+$0x0] =	vst.idx.add.f32.msk $0xffff, v1  }
0x5a: {  	v2 =	vld [tilespmem:s1+$0x14470];
	_ =	sdelay $0x2  }
0x5b: {  	p0 =	sne.s32 s0, $0xE00  }
.Ltmp3:
0x5c: {  	_ = 	snop;
	(pc) =	sbr.rel @p0 .LBB2_9-.Ltmp3, $2  }
0x5d: {  	_ =	sdelay $0x2  }
0x5e: {  	s0 =	sadd.s32 $0x200, s0;
	[tilespmem:v2+s26+$0x0] =	vst.idx.add.f32.msk $0xffff, v1  }
0x5f: {  	s31 =	sadd.s32 $0x1, s31  }
0x60: {  	p0 =	sne.s32 s31, $0xA  }
.Ltmp4:
0x61: {  	_ = 	snop;
	(pc) =	sbr.rel @p0 .LBB2_8-.Ltmp4, $1  }
0x62: {  	_ =	sdelay $0x3  }
0x63: {  	[bflag:$0x0] =	sbarrier.arrive $0xFFFF  }
0x64: {  	[tilespmem:s19], [sflag:$0x2] =	stream.linear.gather [spmem:s5], $0x4000, $0x38;
	[tilespmem:$0x1B800] =	vst v63  }
0x65: {  	_ =	swait.ge [sflag:s15], $0x4000  }
0x66: {  	[sflag:s15] =	ssyncset.done $0x0  }
0x67: {  	[sflag:s15] =	ssyncadd.s32 $0xFFFFC000  }
0x68: {  	[hbm4b:s20+s3] =	stream.linear.scatter [tilespmem:s19], [sflag:$0x2], $0x4000, $0x38;
	[tilespmem:$0x1B800] =	vst v63  }
0x69: {  	_ =	swait.ge [sflag:s15], $0x4000  }
0x6a: {  	[sflag:s15] =	ssyncset.done $0x0  }
0x6b: {  	[sflag:s15] =	ssyncadd.s32 $0xFFFFC000  }
0x6c: {  	[tilespmem:s19], [sflag:$0x2] =	stream.linear.gather [spmem:s10], $0x4000, $0x38;
	[tilespmem:$0x1B800] =	vst v63  }
0x6d: {  	_ =	swait.ge [sflag:s15], $0x4000  }
0x6e: {  	[sflag:s15] =	ssyncset.done $0x0  }
0x6f: {  	[sflag:s15] =	ssyncadd.s32 $0xFFFFC000  }
0x70: {  	[hbm4b:s21+s3] =	stream.linear.scatter [tilespmem:s19], [sflag:$0x2], $0x4000, $0x38;
	[tilespmem:$0x1B800] =	vst v63  }
0x71: {  	_ =	swait.ge [sflag:s15], $0x4000  }
0x72: {  	[sflag:s15] =	ssyncset.done $0x0  }
0x73: {  	[sflag:s15] =	ssyncadd.s32 $0xFFFFC000  }
0x74: {  	[tilespmem:s19], [sflag:$0x2] =	stream.linear.gather [spmem:s11], $0x4000, $0x38;
	[tilespmem:$0x1B800] =	vst v63  }
0x75: {  	_ =	swait.ge [sflag:s15], $0x4000  }
0x76: {  	[sflag:s15] =	ssyncset.done $0x0  }
0x77: {  	[sflag:s15] =	ssyncadd.s32 $0xFFFFC000  }
0x78: {  	[hbm4b:s22+s3] =	stream.linear.scatter [tilespmem:s19], [sflag:$0x2], $0x4000, $0x38;
	[tilespmem:$0x1B800] =	vst v63  }
0x79: {  	_ =	swait.ge [sflag:s15], $0x4000  }
0x7a: {  	[sflag:s15] =	ssyncset.done $0x0  }
0x7b: {  	[sflag:s15] =	ssyncadd.s32 $0xFFFFC000  }
0x7c: {  	[tilespmem:s19], [sflag:$0x2] =	stream.linear.gather [spmem:s12], $0x4000, $0x38;
	[tilespmem:$0x1B800] =	vst v63  }
0x7d: {  	_ =	swait.ge [sflag:s15], $0x4000  }
0x7e: {  	[sflag:s15] =	ssyncset.done $0x0  }
0x7f: {  	[sflag:s15] =	ssyncadd.s32 $0xFFFFC000  }
0x80: {  	[hbm4b:s23+s3] =	stream.linear.scatter [tilespmem:s19], [sflag:$0x2], $0x4000, $0x38;
	[tilespmem:$0x1B800] =	vst v63  }
0x81: {  	_ =	swait.ge [sflag:s15], $0x4000  }
0x82: {  	[sflag:s15] =	ssyncset.done $0x0  }
0x83: {  	[sflag:s15] =	ssyncadd.s32 $0xFFFFC000  }
0x84: {  	[tilespmem:s19], [sflag:$0x2] =	stream.linear.gather [spmem:s13], $0x4000, $0x38;
	[tilespmem:$0x1B800] =	vst v63  }
0x85: {  	_ =	swait.ge [sflag:s15], $0x4000  }
0x86: {  	[sflag:s15] =	ssyncset.done $0x0  }
0x87: {  	[sflag:s15] =	ssyncadd.s32 $0xFFFFC000  }
0x88: {  	[hbm4b:s24+s3] =	stream.linear.scatter [tilespmem:s19], [sflag:$0x2], $0x4000, $0x38;
	[tilespmem:$0x1B800] =	vst v63  }
0x89: {  	s29 =	sadd.s32 $0x1, s29;
	_ =	swait.ge [sflag:s15], $0x4000  }
0x8a: {  	p0 =	sne.s32 s29, s9;
	[sflag:s15] =	ssyncset.done $0x0  }
.Ltmp5:
0x8b: {  	s0 =	simm.s32 $0x400;
	[sflag:s15] =	ssyncadd.s32 $0xFFFFC000;
	(pc) =	sbr.rel @p0 .LBB2_1-.Ltmp5, $4  }
0x8c: {  	[hbm4b:s8+s18] =	stream.strided.scatter [tilespmem:s26], [sflag:$0x2], $0x2800, s0, s18, $0x38;
	[tilespmem:$0x1B800] =	vst v63  }
0x8d: {  	_ =	swait.ge [sflag:s15], $0x2800  }
0x8e: {  	[sflag:s15] =	ssyncset.done $0x0  }
0x8f: {  	[sflag:s15] =	ssyncadd.s32 $0xFFFFD800  }
0x90: {  	_ =	sfence.sel $0x180000  }
0x91: {  	[bflag:$0x0] =	sbarrier.arrive $0xFFFF  }
0x92: {  	_ =	strace $0x90000047  }
0x93: {  	s0 =	stileid.u32;
	[bflag:$0x2] =	sbarrier.arrive $0xFFFF  }
0x94: {  	p0 =	sne.s32 s0, $0x0;
	s0 =	rddreg [dreg:$0x2]  }
0x95: {  	s0 =	sadd.s32 @!p0 $0x100000, s0  }
0x96: {  	[sflag:s0] =	ssyncadd.tile.s32 @!p0 $0x1;
	_ =	shalt  }
.Lfunc_end2:
_tile_overlayer_lowered:
.L_overlay_start_2:
0x97: {  	(tag) =	ssettag $0x2  }
0x98: {  	s0 =	rddreg [dreg:$0x0];
	s2 =	stileid.u32  }
0x99: {  	s1 =	rddreg [dreg:$0x1];
	p0 =	sne.s32 s2, $0x0  }
0x9a: {  	s3 =	rddreg [dreg:$0x2];
	[bflag:$0x3] =	sbarrier.arrive $0xFFFF;
	s2 =	simm.s32 @!p0 $0x1C02  }
0x9b: {  	[timem:s3], [sflag:s2] =	dma.local @!p0 [hbm:s0], s1  }
0x9c: {  	s0 =	simm.s32 @!p0 $0x2  }
0x9d: {  	_ =	swait.ge @!p0 [sflag:s0], s1  }
0x9e: {  	s1 =	ssub.s32 @!p0 $0x0, s1;
	[sflag:s0] =	ssyncset.done @!p0 $0x0  }
0x9f: {  	[sflag:s0] =	ssyncadd.s32 @!p0 s1  }
0xa0: {  	[bflag:$0x3] =	sbarrier.arrive $0xFFFF  }
0xa1: {  	_ =	shalt  }

</sc_bundles>
